<compile_context>
chip_gen: v7x
topology: tpu7x:2x2x1
jax: 0.10.2.dev20260603
libtpu: 0.0.44.dev20260713+nightly
codegen_flags: <defaults>
</compile_context>

<pallas_src>
import jax
import jax.numpy as jnp
from jax import lax
from jax.experimental import pallas as pl
from jax.experimental.pallas import tpu as pltpu
from jax.experimental.pallas import tpu_sc as plsc

NUM_EMB = 991
VOCAB = 1024
PACK = 4
PBINS = VOCAB // PACK
EMB = 64
BATCH = 4096
LIST = 200
NGRP = 13
NCORES = 2
NSUB = 16
NW = NCORES * NSUB
NSPLIT = 1
SPLIT = BATCH // NSPLIT
BPW = SPLIT // NW
CHUNK = 64
NCHUNK = BPW // CHUNK

MM_BLK = 512


def _sc_hist_body(idx_hbm, hist_hbm, idx_v, h0, h1, sem0, sem1, isem):
    cid = lax.axis_index("c")
    sid = lax.axis_index("s")
    wid = sid * NCORES + cid
    base = wid * BPW

    icopy = pltpu.async_copy(idx_hbm.at[pl.ds(base, BPW)], idx_v, isem)

    zeros = jnp.zeros((16,), jnp.int32)
    one = jnp.full((16,), 1, jnp.int32)
    three = jnp.full((16,), 3, jnp.int32)
    lanes = lax.iota(jnp.int32, 16)
    tail_mask = lanes >= 8

    bufs = (h0, h1)
    sems = (sem0, sem1)

    def do_chunk(c, buf, sem):
        def zero_one(z, _):
            for u in range(16):
                buf[pl.ds(z * 256 + u * 16, 16)] = zeros
            return 0

        lax.fori_loop(0, CHUNK * PBINS // 256, zero_one, 0)

        if c == 0:
            icopy.wait()

        def row_hist(r2, _):
            for rr in range(2):
                r = r2 * 2 + rr
                row = c * CHUNK + r
                hist_off = r * PBINS
                for g in range(NGRP):
                    if g < NGRP - 1:
                        sidx = idx_v[row, pl.ds(g * 16, 16)]
                        mask = None
                    else:
                        sidx = idx_v[row, pl.ds(LIST - 16, 16)]
                        mask = tail_mask
                    pbin = lax.shift_right_logical(sidx, 2)
                    addend = lax.shift_left(
                        one, lax.shift_left(sidx & three, 3)
                    )
                    if mask is None:
                        plsc.addupdate_scatter(
                            buf, [pbin + hist_off], addend
                        )
                    else:
                        plsc.addupdate_scatter(
                            buf, [pbin + hist_off], addend, mask=mask
                        )
            return 0

        lax.fori_loop(0, CHUNK // 2, row_hist, 0)

        return pltpu.async_copy(
            buf,
            hist_hbm.at[pl.ds((base + c * CHUNK) * PBINS, CHUNK * PBINS)],
            sem,
        )

    copies = []
    for c in range(NCHUNK):
        if c >= 2:
            copies[c - 2].wait()
        copies.append(do_chunk(c, bufs[c % 2], sems[c % 2]))
    copies[-2].wait()
    copies[-1].wait()


def _mm_body(h_ref, t_ref, o_ref):
    h = h_ref[...].reshape(MM_BLK, PBINS)
    acc = jnp.zeros((MM_BLK, EMB), jnp.float32)
    for k in range(PACK):
        ck = lax.shift_right_logical(h, 8 * k)
        if k < PACK - 1:
            ck = ck & 0xFF
        acc += jnp.dot(
            ck.astype(jnp.float32),
            t_ref[k],
            preferred_element_type=jnp.float32,
        )
    o_ref[...] = acc * jnp.float32(1.0 / LIST)


@jax.jit
def kernel(wyck_x, embedding_table):
    idx = wyck_x[:, -1]
    tpad = jnp.zeros((VOCAB, EMB), jnp.float32).at[:NUM_EMB].set(
        embedding_table
    )
    tgrp = tpad.reshape(PBINS, PACK, EMB).transpose(1, 0, 2)

    mesh = plsc.VectorSubcoreMesh(core_axis_name="c", subcore_axis_name="s")
    hist_call = pl.kernel(
        _sc_hist_body,
        out_type=jax.ShapeDtypeStruct((SPLIT * PBINS,), jnp.int32),
        mesh=mesh,
        compiler_params=pltpu.CompilerParams(needs_layout_passes=False),
        scratch_types=[
            pltpu.VMEM((BPW, LIST), jnp.int32),
            pltpu.VMEM((CHUNK * PBINS,), jnp.int32),
            pltpu.VMEM((CHUNK * PBINS,), jnp.int32),
            pltpu.SemaphoreType.DMA,
            pltpu.SemaphoreType.DMA,
            pltpu.SemaphoreType.DMA,
        ],
    )

    def mm_call(h):
        return pl.pallas_call(
            _mm_body,
            out_shape=jax.ShapeDtypeStruct((SPLIT, EMB), jnp.float32),
            grid=(SPLIT // MM_BLK,),
            in_specs=[
                pl.BlockSpec((MM_BLK * PBINS,), lambda i: (i,)),
                pl.BlockSpec((PACK, PBINS, EMB), lambda i: (0, 0, 0)),
            ],
            out_specs=pl.BlockSpec((MM_BLK, EMB), lambda i: (i, 0)),
        )(h, tgrp)

    hists = [
        hist_call(idx[s * SPLIT:(s + 1) * SPLIT]) for s in range(NSPLIT)
    ]
    outs = [mm_call(h) for h in hists]
    return jnp.concatenate(outs, axis=0)

# --- scband reference (transcript-rebuilt; emitter-appended) ---
"""Pipeline reference for scband-wyckoff-encoder-72146860638742 (READ-ONLY COPY).

The authoritative reference and input builder live on the scoring server;
editing this copy changes nothing except your own understanding.
"""

import jax, jax.numpy as jnp
import numpy as np

NUM_EMB = 991
EMB_SIZE = 64


def setup_inputs(seed: int = 0) -> dict:
    key = jax.random.key(seed)
    k1, k2 = jax.random.split(key)
    wyck_x = jax.random.randint(k1, (4096, 20, 200), 0, NUM_EMB, dtype=jnp.int32)
    embedding_table = jax.random.normal(k2, (NUM_EMB, EMB_SIZE), dtype=jnp.float32) * 0.02
    return {"wyck_x": wyck_x, "embedding_table": embedding_table}


def reference(wyck_x, embedding_table):
    # wyck_i = wyck_x[:, -1]  -> [B, L] indices
    wyck_i = wyck_x[:, -1]
    # embedding lookup -> [B, L, emb_size]
    wyck_h = jnp.take(embedding_table, wyck_i, axis=0)
    # mean over dim 1 (the Wyckoff-position list dim) -> [B, emb_size]
    return wyck_h.mean(axis=1)

if __name__ == "__main__":
    import jax
    _d = setup_inputs()
    print(jax.jit(kernel)(*tuple(_d.values())))

</pallas_src>

<mosaic_0001>
#map = affine_map<(d0, d1) -> (0, 0)>
#map1 = affine_map<(d0, d1) -> (0)>
module attributes {stable_mosaic.version = 14 : i64} {
  func.func @_sc_hist_body(%arg0: i32, %arg1: i32, %arg2: memref<4096x200xi32, #tpu.memory_space<hbm>>, %arg3: memref<1048576xi32, #tpu.memory_space<hbm>>, %arg4: memref<128x200xi32, #tpu.memory_space<vmem>>, %arg5: memref<16384xi32, #tpu.memory_space<vmem>>, %arg6: memref<16384xi32, #tpu.memory_space<vmem>>, %arg7: memref<!tpu.dma_semaphore, #tpu.memory_space<semaphore_mem>>, %arg8: memref<!tpu.dma_semaphore, #tpu.memory_space<semaphore_mem>>, %arg9: memref<!tpu.dma_semaphore, #tpu.memory_space<semaphore_mem>>) attributes {dimension_semantics = [#tpu.dimension_semantics<core_parallel>, #tpu.dimension_semantics<subcore_parallel>], iteration_bounds = array<i64: 2, 16>, scalar_prefetch = 0 : i64, scratch_operands = 6 : i64, tpu.core_type = #tpu.core_type<sc_vector_subcore>, window_params = [{transform_indices = #map}, {transform_indices = #map1}]} {
    %mul3A = arith.constant 2 : i32
    %mul3A_0 = arith.muli %arg1, %mul3A : i32
    %add3A = arith.addi %mul3A_0, %arg0 : i32
    %mul3A_1 = arith.constant 128 : i32
    %mul3A_2 = arith.muli %add3A, %mul3A_1 : i32
    %dma_start3A = arith.constant 0 : i32
    %dma_start3A_3 = tpu.memref_slice %arg2[%mul3A_2, %dma_start3A] : memref<4096x200xi32, #tpu.memory_space<hbm>> -> memref<128x200xi32, #tpu.memory_space<hbm>>
    %dma_start3A_4 = arith.constant 0 : i32
    %dma_start3A_5 = tpu.memref_slice %arg2[%mul3A_2, %dma_start3A_4] : memref<4096x200xi32, #tpu.memory_space<hbm>> -> memref<128x200xi32, #tpu.memory_space<hbm>>
    tpu.enqueue_dma source(%dma_start3A_5 : memref<128x200xi32, #tpu.memory_space<hbm>>) target(%arg4 : memref<128x200xi32, #tpu.memory_space<vmem>>) target_semaphore(%arg9 : memref<!tpu.dma_semaphore, #tpu.memory_space<semaphore_mem>>)
    %broadcast_in_dim3A = arith.constant 0 : i32
    %broadcast_in_dim3A_6 = vector.broadcast %broadcast_in_dim3A : i32 to vector<16xi32>
    %broadcast_in_dim3A_7 = arith.constant 1 : i32
    %broadcast_in_dim3A_8 = vector.broadcast %broadcast_in_dim3A_7 : i32 to vector<16xi32>
    %broadcast_in_dim3A_9 = arith.constant 3 : i32
    %broadcast_in_dim3A_10 = vector.broadcast %broadcast_in_dim3A_9 : i32 to vector<16xi32>
    %iota3A = tpu.iota {dimensions = array<i32: 0>} : vector<16xi32>
    %ge3A = arith.constant 8 : i32
    %ge3A_11 = vector.broadcast %ge3A : i32 to vector<16xi32>
    %ge3A_12 = arith.cmpi sge, %iota3A, %ge3A_11 : vector<16xi32>
    %scan3A = arith.constant 0 : i32
    %scan3A_13 = arith.constant 0 : i32
    %scan3A_14 = arith.constant 64 : i32
    %scan3A_15 = arith.addi %scan3A_13, %scan3A_14 : i32
    %scan3A_16 = arith.constant 1 : i32
    %scan3A_17 = scf.for %scan3A_59 = %scan3A_13 to %scan3A_15 step %scan3A_16 iter_args(%scan3A_60 = %scan3A) -> (i32)  : i32 {
      %mul3A_61 = arith.constant 256 : i32
      %mul3A_62 = arith.muli %scan3A_59, %mul3A_61 : i32
      %add3A_63 = arith.constant 0 : i32
      %add3A_64 = arith.addi %mul3A_62, %add3A_63 : i32
      %swap3A = arith.index_cast %add3A_64 : i32 to index
      %swap3A_65 = tpu.vector_load %arg5[%swap3A] {strides = array<i32>} : memref<16384xi32, #tpu.memory_space<vmem>>, vector<16xi32>,
      tpu.vector_store %arg5[%swap3A], %broadcast_in_dim3A_6 {strides = array<i32>} : memref<16384xi32, #tpu.memory_space<vmem>>, vector<16xi32>,
      %mul3A_66 = arith.constant 256 : i32
      %mul3A_67 = arith.muli %scan3A_59, %mul3A_66 : i32
      %add3A_68 = arith.constant 16 : i32
      %add3A_69 = arith.addi %mul3A_67, %add3A_68 : i32
      %swap3A_70 = arith.index_cast %add3A_69 : i32 to index
      %swap3A_71 = tpu.vector_load %arg5[%swap3A_70] {strides = array<i32>} : memref<16384xi32, #tpu.memory_space<vmem>>, vector<16xi32>,
      tpu.vector_store %arg5[%swap3A_70], %broadcast_in_dim3A_6 {strides = array<i32>} : memref<16384xi32, #tpu.memory_space<vmem>>, vector<16xi32>,
      %mul3A_72 = arith.constant 256 : i32
      %mul3A_73 = arith.muli %scan3A_59, %mul3A_72 : i32
      %add3A_74 = arith.constant 32 : i32
      %add3A_75 = arith.addi %mul3A_73, %add3A_74 : i32
      %swap3A_76 = arith.index_cast %add3A_75 : i32 to index
      %swap3A_77 = tpu.vector_load %arg5[%swap3A_76] {strides = array<i32>} : memref<16384xi32, #tpu.memory_space<vmem>>, vector<16xi32>,
      tpu.vector_store %arg5[%swap3A_76], %broadcast_in_dim3A_6 {strides = array<i32>} : memref<16384xi32, #tpu.memory_space<vmem>>, vector<16xi32>,
      %mul3A_78 = arith.constant 256 : i32
      %mul3A_79 = arith.muli %scan3A_59, %mul3A_78 : i32
      %add3A_80 = arith.constant 48 : i32
      %add3A_81 = arith.addi %mul3A_79, %add3A_80 : i32
      %swap3A_82 = arith.index_cast %add3A_81 : i32 to index
      %swap3A_83 = tpu.vector_load %arg5[%swap3A_82] {strides = array<i32>} : memref<16384xi32, #tpu.memory_space<vmem>>, vector<16xi32>,
      tpu.vector_store %arg5[%swap3A_82], %broadcast_in_dim3A_6 {strides = array<i32>} : memref<16384xi32, #tpu.memory_space<vmem>>, vector<16xi32>,
      %mul3A_84 = arith.constant 256 : i32
      %mul3A_85 = arith.muli %scan3A_59, %mul3A_84 : i32
      %add3A_86 = arith.constant 64 : i32
      %add3A_87 = arith.addi %mul3A_85, %add3A_86 : i32
      %swap3A_88 = arith.index_cast %add3A_87 : i32 to index
      %swap3A_89 = tpu.vector_load %arg5[%swap3A_88] {strides = array<i32>} : memref<16384xi32, #tpu.memory_space<vmem>>, vector<16xi32>,
      tpu.vector_store %arg5[%swap3A_88], %broadcast_in_dim3A_6 {strides = array<i32>} : memref<16384xi32, #tpu.memory_space<vmem>>, vector<16xi32>,
      %mul3A_90 = arith.constant 256 : i32
      %mul3A_91 = arith.muli %scan3A_59, %mul3A_90 : i32
      %add3A_92 = arith.constant 80 : i32
      %add3A_93 = arith.addi %mul3A_91, %add3A_92 : i32
      %swap3A_94 = arith.index_cast %add3A_93 : i32 to index
      %swap3A_95 = tpu.vector_load %arg5[%swap3A_94] {strides = array<i32>} : memref<16384xi32, #tpu.memory_space<vmem>>, vector<16xi32>,
      tpu.vector_store %arg5[%swap3A_94], %broadcast_in_dim3A_6 {strides = array<i32>} : memref<16384xi32, #tpu.memory_space<vmem>>, vector<16xi32>,
      %mul3A_96 = arith.constant 256 : i32
      %mul3A_97 = arith.muli %scan3A_59, %mul3A_96 : i32
      %add3A_98 = arith.constant 96 : i32
      %add3A_99 = arith.addi %mul3A_97, %add3A_98 : i32
      %swap3A_100 = arith.index_cast %add3A_99 : i32 to index
      %swap3A_101 = tpu.vector_load %arg5[%swap3A_100] {strides = array<i32>} : memref<16384xi32, #tpu.memory_space<vmem>>, vector<16xi32>,
      tpu.vector_store %arg5[%swap3A_100], %broadcast_in_dim3A_6 {strides = array<i32>} : memref<16384xi32, #tpu.memory_space<vmem>>, vector<16xi32>,
      %mul3A_102 = arith.constant 256 : i32
      %mul3A_103 = arith.muli %scan3A_59, %mul3A_102 : i32
      %add3A_104 = arith.constant 112 : i32
      %add3A_105 = arith.addi %mul3A_103, %add3A_104 : i32
      %swap3A_106 = arith.index_cast %add3A_105 : i32 to index
      %swap3A_107 = tpu.vector_load %arg5[%swap3A_106] {strides = array<i32>} : memref<16384xi32, #tpu.memory_space<vmem>>, vector<16xi32>,
      tpu.vector_store %arg5[%swap3A_106], %broadcast_in_dim3A_6 {strides = array<i32>} : memref<16384xi32, #tpu.memory_space<vmem>>, vector<16xi32>,
      %mul3A_108 = arith.constant 256 : i32
      %mul3A_109 = arith.muli %scan3A_59, %mul3A_108 : i32
      %add3A_110 = arith.constant 128 : i32
      %add3A_111 = arith.addi %mul3A_109, %add3A_110 : i32
      %swap3A_112 = arith.index_cast %add3A_111 : i32 to index
      %swap3A_113 = tpu.vector_load %arg5[%swap3A_112] {strides = array<i32>} : memref<16384xi32, #tpu.memory_space<vmem>>, vector<16xi32>,
      tpu.vector_store %arg5[%swap3A_112], %broadcast_in_dim3A_6 {strides = array<i32>} : memref<16384xi32, #tpu.memory_space<vmem>>, vector<16xi32>,
      %mul3A_114 = arith.constant 256 : i32
      %mul3A_115 = arith.muli %scan3A_59, %mul3A_114 : i32
      %add3A_116 = arith.constant 144 : i32
      %add3A_117 = arith.addi %mul3A_115, %add3A_116 : i32
      %swap3A_118 = arith.index_cast %add3A_117 : i32 to index
      %swap3A_119 = tpu.vector_load %arg5[%swap3A_118] {strides = array<i32>} : memref<16384xi32, #tpu.memory_space<vmem>>, vector<16xi32>,
      tpu.vector_store %arg5[%swap3A_118], %broadcast_in_dim3A_6 {strides = array<i32>} : memref<16384xi32, #tpu.memory_space<vmem>>, vector<16xi32>,
      %mul3A_120 = arith.constant 256 : i32
      %mul3A_121 = arith.muli %scan3A_59, %mul3A_120 : i32
      %add3A_122 = arith.constant 160 : i32
      %add3A_123 = arith.addi %mul3A_121, %add3A_122 : i32
      %swap3A_124 = arith.index_cast %add3A_123 : i32 to index
      %swap3A_125 = tpu.vector_load %arg5[%swap3A_124] {strides = array<i32>} : memref<16384xi32, #tpu.memory_space<vmem>>, vector<16xi32>,
      tpu.vector_store %arg5[%swap3A_124], %broadcast_in_dim3A_6 {strides = array<i32>} : memref<16384xi32, #tpu.memory_space<vmem>>, vector<16xi32>,
      %mul3A_126 = arith.constant 256 : i32
      %mul3A_127 = arith.muli %scan3A_59, %mul3A_126 : i32
      %add3A_128 = arith.constant 176 : i32
      %add3A_129 = arith.addi %mul3A_127, %add3A_128 : i32
      %swap3A_130 = arith.index_cast %add3A_129 : i32 to index
      %swap3A_131 = tpu.vector_load %arg5[%swap3A_130] {strides = array<i32>} : memref<16384xi32, #tpu.memory_space<vmem>>, vector<16xi32>,
      tpu.vector_store %arg5[%swap3A_130], %broadcast_in_dim3A_6 {strides = array<i32>} : memref<16384xi32, #tpu.memory_space<vmem>>, vector<16xi32>,
      %mul3A_132 = arith.constant 256 : i32
      %mul3A_133 = arith.muli %scan3A_59, %mul3A_132 : i32
      %add3A_134 = arith.constant 192 : i32
      %add3A_135 = arith.addi %mul3A_133, %add3A_134 : i32
      %swap3A_136 = arith.index_cast %add3A_135 : i32 to index
      %swap3A_137 = tpu.vector_load %arg5[%swap3A_136] {strides = array<i32>} : memref<16384xi32, #tpu.memory_space<vmem>>, vector<16xi32>,
      tpu.vector_store %arg5[%swap3A_136], %broadcast_in_dim3A_6 {strides = array<i32>} : memref<16384xi32, #tpu.memory_space<vmem>>, vector<16xi32>,
      %mul3A_138 = arith.constant 256 : i32
      %mul3A_139 = arith.muli %scan3A_59, %mul3A_138 : i32
      %add3A_140 = arith.constant 208 : i32
      %add3A_141 = arith.addi %mul3A_139, %add3A_140 : i32
      %swap3A_142 = arith.index_cast %add3A_141 : i32 to index
      %swap3A_143 = tpu.vector_load %arg5[%swap3A_142] {strides = array<i32>} : memref<16384xi32, #tpu.memory_space<vmem>>, vector<16xi32>,
      tpu.vector_store %arg5[%swap3A_142], %broadcast_in_dim3A_6 {strides = array<i32>} : memref<16384xi32, #tpu.memory_space<vmem>>, vector<16xi32>,
      %mul3A_144 = arith.constant 256 : i32
      %mul3A_145 = arith.muli %scan3A_59, %mul3A_144 : i32
      %add3A_146 = arith.constant 224 : i32
      %add3A_147 = arith.addi %mul3A_145, %add3A_146 : i32
      %swap3A_148 = arith.index_cast %add3A_147 : i32 to index
      %swap3A_149 = tpu.vector_load %arg5[%swap3A_148] {strides = array<i32>} : memref<16384xi32, #tpu.memory_space<vmem>>, vector<16xi32>,
      tpu.vector_store %arg5[%swap3A_148], %broadcast_in_dim3A_6 {strides = array<i32>} : memref<16384xi32, #tpu.memory_space<vmem>>, vector<16xi32>,
      %mul3A_150 = arith.constant 256 : i32
      %mul3A_151 = arith.muli %scan3A_59, %mul3A_150 : i32
      %add3A_152 = arith.constant 240 : i32
      %add3A_153 = arith.addi %mul3A_151, %add3A_152 : i32
      %swap3A_154 = arith.index_cast %add3A_153 : i32 to index
      %swap3A_155 = tpu.vector_load %arg5[%swap3A_154] {strides = array<i32>} : memref<16384xi32, #tpu.memory_space<vmem>>, vector<16xi32>,
      tpu.vector_store %arg5[%swap3A_154], %broadcast_in_dim3A_6 {strides = array<i32>} : memref<16384xi32, #tpu.memory_space<vmem>>, vector<16xi32>,
      %scan3A_156 = arith.constant 0 : i32
      scf.yield %scan3A_156 : i32
    }
    %scan3A_18 = arith.constant 64 : i32
    %dma_wait3A = arith.constant 0 : i32
    %dma_wait3A_19 = tpu.memref_slice %arg2[%mul3A_2, %dma_wait3A] : memref<4096x200xi32, #tpu.memory_space<hbm>> -> memref<128x200xi32, #tpu.memory_space<hbm>>
    %dma_wait3A_20 = arith.constant 0 : i32
    %dma_wait3A_21 = tpu.memref_slice %arg2[%mul3A_2, %dma_wait3A_20] : memref<4096x200xi32, #tpu.memory_space<hbm>> -> memref<128x200xi32, #tpu.memory_space<hbm>>
    tpu.wait_dma2 semaphore(%arg9 : memref<!tpu.dma_semaphore, #tpu.memory_space<semaphore_mem>>) src(%dma_wait3A_21 : memref<128x200xi32, #tpu.memory_space<hbm>>) dst(%arg4 : memref<128x200xi32, #tpu.memory_space<vmem>>)
    %scan3A_22 = arith.constant 0 : i32
    %scan3A_23 = arith.constant 0 : i32
    %scan3A_24 = arith.constant 32 : i32
    %scan3A_25 = arith.addi %scan3A_23, %scan3A_24 : i32
    %scan3A_26 = arith.constant 1 : i32
    %scan3A_27 = scf.for %scan3A_59 = %scan3A_23 to %scan3A_25 step %scan3A_26 iter_args(%scan3A_60 = %scan3A_22) -> (i32)  : i32 {
      %mul3A_61 = arith.constant 2 : i32
      %mul3A_62 = arith.muli %scan3A_59, %mul3A_61 : i32
      %add3A_63 = arith.constant 0 : i32
      %add3A_64 = arith.addi %mul3A_62, %add3A_63 : i32
      %add3A_65 = arith.constant 0 : i32
      %add3A_66 = arith.addi %add3A_65, %add3A_64 : i32
      %mul3A_67 = arith.constant 256 : i32
      %mul3A_68 = arith.muli %add3A_64, %mul3A_67 : i32
      %get3A = arith.index_cast %add3A_66 : i32 to index
      %get3A_69 = arith.constant 0 : index
      %get3A_70 = tpu.vector_load %arg4[%get3A, %get3A_69] {strides = array<i32>} : memref<128x200xi32, #tpu.memory_space<vmem>>, vector<16xi32>,
      %shift_right_logical3A = arith.constant 2 : i32
      %shift_right_logical3A_71 = vector.broadcast %shift_right_logical3A : i32 to vector<16xi32>
      %shift_right_logical3A_72 = arith.shrui %get3A_70, %shift_right_logical3A_71 : vector<16xi32>
      %and3A = arith.andi %get3A_70, %broadcast_in_dim3A_10 : vector<16xi32>
      %shift_left3A = arith.constant 3 : i32
      %shift_left3A_73 = vector.broadcast %shift_left3A : i32 to vector<16xi32>
      %shift_left3A_74 = arith.shli %and3A, %shift_left3A_73 : vector<16xi32>
      %shift_left3A_75 = arith.shli %broadcast_in_dim3A_8, %shift_left3A_74 : vector<16xi32>
      %add3A_76 = vector.broadcast %mul3A_68 : i32 to vector<16xi32>
      %add3A_77 = arith.addi %shift_right_logical3A_72, %add3A_76 : vector<16xi32>
      tpu.vector_store_idx %arg5[%add3A_77], %shift_left3A_75 {add = true} : memref<16384xi32, #tpu.memory_space<vmem>>[vector<16xi32>], vector<16xi32>,
      %get3A_78 = arith.index_cast %add3A_66 : i32 to index
      %get3A_79 = arith.constant 16 : index
      %get3A_80 = tpu.vector_load %arg4[%get3A_78, %get3A_79] {strides = array<i32>} : memref<128x200xi32, #tpu.memory_space<vmem>>, vector<16xi32>,
      %shift_right_logical3A_81 = arith.constant 2 : i32
      %shift_right_logical3A_82 = vector.broadcast %shift_right_logical3A_81 : i32 to vector<16xi32>
      %shift_right_logical3A_83 = arith.shrui %get3A_80, %shift_right_logical3A_82 : vector<16xi32>
      %and3A_84 = arith.andi %get3A_80, %broadcast_in_dim3A_10 : vector<16xi32>
      %shift_left3A_85 = arith.constant 3 : i32
      %shift_left3A_86 = vector.broadcast %shift_left3A_85 : i32 to vector<16xi32>
      %shift_left3A_87 = arith.shli %and3A_84, %shift_left3A_86 : vector<16xi32>
      %shift_left3A_88 = arith.shli %broadcast_in_dim3A_8, %shift_left3A_87 : vector<16xi32>
      %add3A_89 = vector.broadcast %mul3A_68 : i32 to vector<16xi32>
      %add3A_90 = arith.addi %shift_right_logical3A_83, %add3A_89 : vector<16xi32>
      tpu.vector_store_idx %arg5[%add3A_90], %shift_left3A_88 {add = true} : memref<16384xi32, #tpu.memory_space<vmem>>[vector<16xi32>], vector<16xi32>,
      %get3A_91 = arith.index_cast %add3A_66 : i32 to index
      %get3A_92 = arith.constant 32 : index
      %get3A_93 = tpu.vector_load %arg4[%get3A_91, %get3A_92] {strides = array<i32>} : memref<128x200xi32, #tpu.memory_space<vmem>>, vector<16xi32>,
      %shift_right_logical3A_94 = arith.constant 2 : i32
      %shift_right_logical3A_95 = vector.broadcast %shift_right_logical3A_94 : i32 to vector<16xi32>
      %shift_right_logical3A_96 = arith.shrui %get3A_93, %shift_right_logical3A_95 : vector<16xi32>
      %and3A_97 = arith.andi %get3A_93, %broadcast_in_dim3A_10 : vector<16xi32>
      %shift_left3A_98 = arith.constant 3 : i32
      %shift_left3A_99 = vector.broadcast %shift_left3A_98 : i32 to vector<16xi32>
      %shift_left3A_100 = arith.shli %and3A_97, %shift_left3A_99 : vector<16xi32>
      %shift_left3A_101 = arith.shli %broadcast_in_dim3A_8, %shift_left3A_100 : vector<16xi32>
      %add3A_102 = vector.broadcast %mul3A_68 : i32 to vector<16xi32>
      %add3A_103 = arith.addi %shift_right_logical3A_96, %add3A_102 : vector<16xi32>
      tpu.vector_store_idx %arg5[%add3A_103], %shift_left3A_101 {add = true} : memref<16384xi32, #tpu.memory_space<vmem>>[vector<16xi32>], vector<16xi32>,
      %get3A_104 = arith.index_cast %add3A_66 : i32 to index
      %get3A_105 = arith.constant 48 : index
      %get3A_106 = tpu.vector_load %arg4[%get3A_104, %get3A_105] {strides = array<i32>} : memref<128x200xi32, #tpu.memory_space<vmem>>, vector<16xi32>,
      %shift_right_logical3A_107 = arith.constant 2 : i32
      %shift_right_logical3A_108 = vector.broadcast %shift_right_logical3A_107 : i32 to vector<16xi32>
      %shift_right_logical3A_109 = arith.shrui %get3A_106, %shift_right_logical3A_108 : vector<16xi32>
      %and3A_110 = arith.andi %get3A_106, %broadcast_in_dim3A_10 : vector<16xi32>
      %shift_left3A_111 = arith.constant 3 : i32
      %shift_left3A_112 = vector.broadcast %shift_left3A_111 : i32 to vector<16xi32>
      %shift_left3A_113 = arith.shli %and3A_110, %shift_left3A_112 : vector<16xi32>
      %shift_left3A_114 = arith.shli %broadcast_in_dim3A_8, %shift_left3A_113 : vector<16xi32>
      %add3A_115 = vector.broadcast %mul3A_68 : i32 to vector<16xi32>
      %add3A_116 = arith.addi %shift_right_logical3A_109, %add3A_115 : vector<16xi32>
      tpu.vector_store_idx %arg5[%add3A_116], %shift_left3A_114 {add = true} : memref<16384xi32, #tpu.memory_space<vmem>>[vector<16xi32>], vector<16xi32>,
      %get3A_117 = arith.index_cast %add3A_66 : i32 to index
      %get3A_118 = arith.constant 64 : index
      %get3A_119 = tpu.vector_load %arg4[%get3A_117, %get3A_118] {strides = array<i32>} : memref<128x200xi32, #tpu.memory_space<vmem>>, vector<16xi32>,
      %shift_right_logical3A_120 = arith.constant 2 : i32
      %shift_right_logical3A_121 = vector.broadcast %shift_right_logical3A_120 : i32 to vector<16xi32>
      %shift_right_logical3A_122 = arith.shrui %get3A_119, %shift_right_logical3A_121 : vector<16xi32>
      %and3A_123 = arith.andi %get3A_119, %broadcast_in_dim3A_10 : vector<16xi32>
      %shift_left3A_124 = arith.constant 3 : i32
      %shift_left3A_125 = vector.broadcast %shift_left3A_124 : i32 to vector<16xi32>
      %shift_left3A_126 = arith.shli %and3A_123, %shift_left3A_125 : vector<16xi32>
      %shift_left3A_127 = arith.shli %broadcast_in_dim3A_8, %shift_left3A_126 : vector<16xi32>
      %add3A_128 = vector.broadcast %mul3A_68 : i32 to vector<16xi32>
      %add3A_129 = arith.addi %shift_right_logical3A_122, %add3A_128 : vector<16xi32>
      tpu.vector_store_idx %arg5[%add3A_129], %shift_left3A_127 {add = true} : memref<16384xi32, #tpu.memory_space<vmem>>[vector<16xi32>], vector<16xi32>,
      %get3A_130 = arith.index_cast %add3A_66 : i32 to index
      %get3A_131 = arith.constant 80 : index
      %get3A_132 = tpu.vector_load %arg4[%get3A_130, %get3A_131] {strides = array<i32>} : memref<128x200xi32, #tpu.memory_space<vmem>>, vector<16xi32>,
      %shift_right_logical3A_133 = arith.constant 2 : i32
      %shift_right_logical3A_134 = vector.broadcast %shift_right_logical3A_133 : i32 to vector<16xi32>
      %shift_right_logical3A_135 = arith.shrui %get3A_132, %shift_right_logical3A_134 : vector<16xi32>
      %and3A_136 = arith.andi %get3A_132, %broadcast_in_dim3A_10 : vector<16xi32>
      %shift_left3A_137 = arith.constant 3 : i32
      %shift_left3A_138 = vector.broadcast %shift_left3A_137 : i32 to vector<16xi32>
      %shift_left3A_139 = arith.shli %and3A_136, %shift_left3A_138 : vector<16xi32>
      %shift_left3A_140 = arith.shli %broadcast_in_dim3A_8, %shift_left3A_139 : vector<16xi32>
      %add3A_141 = vector.broadcast %mul3A_68 : i32 to vector<16xi32>
      %add3A_142 = arith.addi %shift_right_logical3A_135, %add3A_141 : vector<16xi32>
      tpu.vector_store_idx %arg5[%add3A_142], %shift_left3A_140 {add = true} : memref<16384xi32, #tpu.memory_space<vmem>>[vector<16xi32>], vector<16xi32>,
      %get3A_143 = arith.index_cast %add3A_66 : i32 to index
      %get3A_144 = arith.constant 96 : index
      %get3A_145 = tpu.vector_load %arg4[%get3A_143, %get3A_144] {strides = array<i32>} : memref<128x200xi32, #tpu.memory_space<vmem>>, vector<16xi32>,
      %shift_right_logical3A_146 = arith.constant 2 : i32
      %shift_right_logical3A_147 = vector.broadcast %shift_right_logical3A_146 : i32 to vector<16xi32>
      %shift_right_logical3A_148 = arith.shrui %get3A_145, %shift_right_logical3A_147 : vector<16xi32>
      %and3A_149 = arith.andi %get3A_145, %broadcast_in_dim3A_10 : vector<16xi32>
      %shift_left3A_150 = arith.constant 3 : i32
      %shift_left3A_151 = vector.broadcast %shift_left3A_150 : i32 to vector<16xi32>
      %shift_left3A_152 = arith.shli %and3A_149, %shift_left3A_151 : vector<16xi32>
      %shift_left3A_153 = arith.shli %broadcast_in_dim3A_8, %shift_left3A_152 : vector<16xi32>
      %add3A_154 = vector.broadcast %mul3A_68 : i32 to vector<16xi32>
      %add3A_155 = arith.addi %shift_right_logical3A_148, %add3A_154 : vector<16xi32>
      tpu.vector_store_idx %arg5[%add3A_155], %shift_left3A_153 {add = true} : memref<16384xi32, #tpu.memory_space<vmem>>[vector<16xi32>], vector<16xi32>,
      %get3A_156 = arith.index_cast %add3A_66 : i32 to index
      %get3A_157 = arith.constant 112 : index
      %get3A_158 = tpu.vector_load %arg4[%get3A_156, %get3A_157] {strides = array<i32>} : memref<128x200xi32, #tpu.memory_space<vmem>>, vector<16xi32>,
      %shift_right_logical3A_159 = arith.constant 2 : i32
      %shift_right_logical3A_160 = vector.broadcast %shift_right_logical3A_159 : i32 to vector<16xi32>
      %shift_right_logical3A_161 = arith.shrui %get3A_158, %shift_right_logical3A_160 : vector<16xi32>
      %and3A_162 = arith.andi %get3A_158, %broadcast_in_dim3A_10 : vector<16xi32>
      %shift_left3A_163 = arith.constant 3 : i32
      %shift_left3A_164 = vector.broadcast %shift_left3A_163 : i32 to vector<16xi32>
      %shift_left3A_165 = arith.shli %and3A_162, %shift_left3A_164 : vector<16xi32>
      %shift_left3A_166 = arith.shli %broadcast_in_dim3A_8, %shift_left3A_165 : vector<16xi32>
      %add3A_167 = vector.broadcast %mul3A_68 : i32 to vector<16xi32>
      %add3A_168 = arith.addi %shift_right_logical3A_161, %add3A_167 : vector<16xi32>
      tpu.vector_store_idx %arg5[%add3A_168], %shift_left3A_166 {add = true} : memref<16384xi32, #tpu.memory_space<vmem>>[vector<16xi32>], vector<16xi32>,
      %get3A_169 = arith.index_cast %add3A_66 : i32 to index
      %get3A_170 = arith.constant 128 : index
      %get3A_171 = tpu.vector_load %arg4[%get3A_169, %get3A_170] {strides = array<i32>} : memref<128x200xi32, #tpu.memory_space<vmem>>, vector<16xi32>,
      %shift_right_logical3A_172 = arith.constant 2 : i32
      %shift_right_logical3A_173 = vector.broadcast %shift_right_logical3A_172 : i32 to vector<16xi32>
      %shift_right_logical3A_174 = arith.shrui %get3A_171, %shift_right_logical3A_173 : vector<16xi32>
      %and3A_175 = arith.andi %get3A_171, %broadcast_in_dim3A_10 : vector<16xi32>
      %shift_left3A_176 = arith.constant 3 : i32
      %shift_left3A_177 = vector.broadcast %shift_left3A_176 : i32 to vector<16xi32>
      %shift_left3A_178 = arith.shli %and3A_175, %shift_left3A_177 : vector<16xi32>
      %shift_left3A_179 = arith.shli %broadcast_in_dim3A_8, %shift_left3A_178 : vector<16xi32>
      %add3A_180 = vector.broadcast %mul3A_68 : i32 to vector<16xi32>
      %add3A_181 = arith.addi %shift_right_logical3A_174, %add3A_180 : vector<16xi32>
      tpu.vector_store_idx %arg5[%add3A_181], %shift_left3A_179 {add = true} : memref<16384xi32, #tpu.memory_space<vmem>>[vector<16xi32>], vector<16xi32>,
      %get3A_182 = arith.index_cast %add3A_66 : i32 to index
      %get3A_183 = arith.constant 144 : index
      %get3A_184 = tpu.vector_load %arg4[%get3A_182, %get3A_183] {strides = array<i32>} : memref<128x200xi32, #tpu.memory_space<vmem>>, vector<16xi32>,
      %shift_right_logical3A_185 = arith.constant 2 : i32
      %shift_right_logical3A_186 = vector.broadcast %shift_right_logical3A_185 : i32 to vector<16xi32>
      %shift_right_logical3A_187 = arith.shrui %get3A_184, %shift_right_logical3A_186 : vector<16xi32>
      %and3A_188 = arith.andi %get3A_184, %broadcast_in_dim3A_10 : vector<16xi32>
      %shift_left3A_189 = arith.constant 3 : i32
      %shift_left3A_190 = vector.broadcast %shift_left3A_189 : i32 to vector<16xi32>
      %shift_left3A_191 = arith.shli %and3A_188, %shift_left3A_190 : vector<16xi32>
      %shift_left3A_192 = arith.shli %broadcast_in_dim3A_8, %shift_left3A_191 : vector<16xi32>
      %add3A_193 = vector.broadcast %mul3A_68 : i32 to vector<16xi32>
      %add3A_194 = arith.addi %shift_right_logical3A_187, %add3A_193 : vector<16xi32>
      tpu.vector_store_idx %arg5[%add3A_194], %shift_left3A_192 {add = true} : memref<16384xi32, #tpu.memory_space<vmem>>[vector<16xi32>], vector<16xi32>,
      %get3A_195 = arith.index_cast %add3A_66 : i32 to index
      %get3A_196 = arith.constant 160 : index
      %get3A_197 = tpu.vector_load %arg4[%get3A_195, %get3A_196] {strides = array<i32>} : memref<128x200xi32, #tpu.memory_space<vmem>>, vector<16xi32>,
      %shift_right_logical3A_198 = arith.constant 2 : i32
      %shift_right_logical3A_199 = vector.broadcast %shift_right_logical3A_198 : i32 to vector<16xi32>
      %shift_right_logical3A_200 = arith.shrui %get3A_197, %shift_right_logical3A_199 : vector<16xi32>
      %and3A_201 = arith.andi %get3A_197, %broadcast_in_dim3A_10 : vector<16xi32>
      %shift_left3A_202 = arith.constant 3 : i32
      %shift_left3A_203 = vector.broadcast %shift_left3A_202 : i32 to vector<16xi32>
      %shift_left3A_204 = arith.shli %and3A_201, %shift_left3A_203 : vector<16xi32>
      %shift_left3A_205 = arith.shli %broadcast_in_dim3A_8, %shift_left3A_204 : vector<16xi32>
      %add3A_206 = vector.broadcast %mul3A_68 : i32 to vector<16xi32>
      %add3A_207 = arith.addi %shift_right_logical3A_200, %add3A_206 : vector<16xi32>
      tpu.vector_store_idx %arg5[%add3A_207], %shift_left3A_205 {add = true} : memref<16384xi32, #tpu.memory_space<vmem>>[vector<16xi32>], vector<16xi32>,
      %get3A_208 = arith.index_cast %add3A_66 : i32 to index
      %get3A_209 = arith.constant 176 : index
      %get3A_210 = tpu.vector_load %arg4[%get3A_208, %get3A_209] {strides = array<i32>} : memref<128x200xi32, #tpu.memory_space<vmem>>, vector<16xi32>,
      %shift_right_logical3A_211 = arith.constant 2 : i32
      %shift_right_logical3A_212 = vector.broadcast %shift_right_logical3A_211 : i32 to vector<16xi32>
      %shift_right_logical3A_213 = arith.shrui %get3A_210, %shift_right_logical3A_212 : vector<16xi32>
      %and3A_214 = arith.andi %get3A_210, %broadcast_in_dim3A_10 : vector<16xi32>
      %shift_left3A_215 = arith.constant 3 : i32
      %shift_left3A_216 = vector.broadcast %shift_left3A_215 : i32 to vector<16xi32>
      %shift_left3A_217 = arith.shli %and3A_214, %shift_left3A_216 : vector<16xi32>
      %shift_left3A_218 = arith.shli %broadcast_in_dim3A_8, %shift_left3A_217 : vector<16xi32>
      %add3A_219 = vector.broadcast %mul3A_68 : i32 to vector<16xi32>
      %add3A_220 = arith.addi %shift_right_logical3A_213, %add3A_219 : vector<16xi32>
      tpu.vector_store_idx %arg5[%add3A_220], %shift_left3A_218 {add = true} : memref<16384xi32, #tpu.memory_space<vmem>>[vector<16xi32>], vector<16xi32>,
      %get3A_221 = arith.index_cast %add3A_66 : i32 to index
      %get3A_222 = arith.constant 184 : index
      %get3A_223 = tpu.vector_load %arg4[%get3A_221, %get3A_222] {strides = array<i32>} : memref<128x200xi32, #tpu.memory_space<vmem>>, vector<16xi32>,
      %shift_right_logical3A_224 = arith.constant 2 : i32
      %shift_right_logical3A_225 = vector.broadcast %shift_right_logical3A_224 : i32 to vector<16xi32>
      %shift_right_logical3A_226 = arith.shrui %get3A_223, %shift_right_logical3A_225 : vector<16xi32>
      %and3A_227 = arith.andi %get3A_223, %broadcast_in_dim3A_10 : vector<16xi32>
      %shift_left3A_228 = arith.constant 3 : i32
      %shift_left3A_229 = vector.broadcast %shift_left3A_228 : i32 to vector<16xi32>
      %shift_left3A_230 = arith.shli %and3A_227, %shift_left3A_229 : vector<16xi32>
      %shift_left3A_231 = arith.shli %broadcast_in_dim3A_8, %shift_left3A_230 : vector<16xi32>
      %add3A_232 = vector.broadcast %mul3A_68 : i32 to vector<16xi32>
      %add3A_233 = arith.addi %shift_right_logical3A_226, %add3A_232 : vector<16xi32>
      tpu.vector_store_idx %arg5[%add3A_233], %shift_left3A_231 masked %ge3A_12 {add = true} : memref<16384xi32, #tpu.memory_space<vmem>>[vector<16xi32>], vector<16xi32>, vector<16xi1>
      %mul3A_234 = arith.constant 2 : i32
      %mul3A_235 = arith.muli %scan3A_59, %mul3A_234 : i32
      %add3A_236 = arith.constant 1 : i32
      %add3A_237 = arith.addi %mul3A_235, %add3A_236 : i32
      %add3A_238 = arith.constant 0 : i32
      %add3A_239 = arith.addi %add3A_238, %add3A_237 : i32
      %mul3A_240 = arith.constant 256 : i32
      %mul3A_241 = arith.muli %add3A_237, %mul3A_240 : i32
      %get3A_242 = arith.index_cast %add3A_239 : i32 to index
      %get3A_243 = arith.constant 0 : index
      %get3A_244 = tpu.vector_load %arg4[%get3A_242, %get3A_243] {strides = array<i32>} : memref<128x200xi32, #tpu.memory_space<vmem>>, vector<16xi32>,
      %shift_right_logical3A_245 = arith.constant 2 : i32
      %shift_right_logical3A_246 = vector.broadcast %shift_right_logical3A_245 : i32 to vector<16xi32>
      %shift_right_logical3A_247 = arith.shrui %get3A_244, %shift_right_logical3A_246 : vector<16xi32>
      %and3A_248 = arith.andi %get3A_244, %broadcast_in_dim3A_10 : vector<16xi32>
      %shift_left3A_249 = arith.constant 3 : i32
      %shift_left3A_250 = vector.broadcast %shift_left3A_249 : i32 to vector<16xi32>
      %shift_left3A_251 = arith.shli %and3A_248, %shift_left3A_250 : vector<16xi32>
      %shift_left3A_252 = arith.shli %broadcast_in_dim3A_8, %shift_left3A_251 : vector<16xi32>
      %add3A_253 = vector.broadcast %mul3A_241 : i32 to vector<16xi32>
      %add3A_254 = arith.addi %shift_right_logical3A_247, %add3A_253 : vector<16xi32>
      tpu.vector_store_idx %arg5[%add3A_254], %shift_left3A_252 {add = true} : memref<16384xi32, #tpu.memory_space<vmem>>[vector<16xi32>], vector<16xi32>,
      %get3A_255 = arith.index_cast %add3A_239 : i32 to index
      %get3A_256 = arith.constant 16 : index
      %get3A_257 = tpu.vector_load %arg4[%get3A_255, %get3A_256] {strides = array<i32>} : memref<128x200xi32, #tpu.memory_space<vmem>>, vector<16xi32>,
      %shift_right_logical3A_258 = arith.constant 2 : i32
      %shift_right_logical3A_259 = vector.broadcast %shift_right_logical3A_258 : i32 to vector<16xi32>
      %shift_right_logical3A_260 = arith.shrui %get3A_257, %shift_right_logical3A_259 : vector<16xi32>
      %and3A_261 = arith.andi %get3A_257, %broadcast_in_dim3A_10 : vector<16xi32>
      %shift_left3A_262 = arith.constant 3 : i32
      %shift_left3A_263 = vector.broadcast %shift_left3A_262 : i32 to vector<16xi32>
      %shift_left3A_264 = arith.shli %and3A_261, %shift_left3A_263 : vector<16xi32>
      %shift_left3A_265 = arith.shli %broadcast_in_dim3A_8, %shift_left3A_264 : vector<16xi32>
      %add3A_266 = vector.broadcast %mul3A_241 : i32 to vector<16xi32>
      %add3A_267 = arith.addi %shift_right_logical3A_260, %add3A_266 : vector<16xi32>
      tpu.vector_store_idx %arg5[%add3A_267], %shift_left3A_265 {add = true} : memref<16384xi32, #tpu.memory_space<vmem>>[vector<16xi32>], vector<16xi32>,
      %get3A_268 = arith.index_cast %add3A_239 : i32 to index
      %get3A_269 = arith.constant 32 : index
      %get3A_270 = tpu.vector_load %arg4[%get3A_268, %get3A_269] {strides = array<i32>} : memref<128x200xi32, #tpu.memory_space<vmem>>, vector<16xi32>,
      %shift_right_logical3A_271 = arith.constant 2 : i32
      %shift_right_logical3A_272 = vector.broadcast %shift_right_logical3A_271 : i32 to vector<16xi32>
      %shift_right_logical3A_273 = arith.shrui %get3A_270, %shift_right_logical3A_272 : vector<16xi32>
      %and3A_274 = arith.andi %get3A_270, %broadcast_in_dim3A_10 : vector<16xi32>
      %shift_left3A_275 = arith.constant 3 : i32
      %shift_left3A_276 = vector.broadcast %shift_left3A_275 : i32 to vector<16xi32>
      %shift_left3A_277 = arith.shli %and3A_274, %shift_left3A_276 : vector<16xi32>
      %shift_left3A_278 = arith.shli %broadcast_in_dim3A_8, %shift_left3A_277 : vector<16xi32>
      %add3A_279 = vector.broadcast %mul3A_241 : i32 to vector<16xi32>
      %add3A_280 = arith.addi %shift_right_logical3A_273, %add3A_279 : vector<16xi32>
      tpu.vector_store_idx %arg5[%add3A_280], %shift_left3A_278 {add = true} : memref<16384xi32, #tpu.memory_space<vmem>>[vector<16xi32>], vector<16xi32>,
      %get3A_281 = arith.index_cast %add3A_239 : i32 to index
      %get3A_282 = arith.constant 48 : index
      %get3A_283 = tpu.vector_load %arg4[%get3A_281, %get3A_282] {strides = array<i32>} : memref<128x200xi32, #tpu.memory_space<vmem>>, vector<16xi32>,
      %shift_right_logical3A_284 = arith.constant 2 : i32
      %shift_right_logical3A_285 = vector.broadcast %shift_right_logical3A_284 : i32 to vector<16xi32>
      %shift_right_logical3A_286 = arith.shrui %get3A_283, %shift_right_logical3A_285 : vector<16xi32>
      %and3A_287 = arith.andi %get3A_283, %broadcast_in_dim3A_10 : vector<16xi32>
      %shift_left3A_288 = arith.constant 3 : i32
      %shift_left3A_289 = vector.broadcast %shift_left3A_288 : i32 to vector<16xi32>
      %shift_left3A_290 = arith.shli %and3A_287, %shift_left3A_289 : vector<16xi32>
      %shift_left3A_291 = arith.shli %broadcast_in_dim3A_8, %shift_left3A_290 : vector<16xi32>
      %add3A_292 = vector.broadcast %mul3A_241 : i32 to vector<16xi32>
      %add3A_293 = arith.addi %shift_right_logical3A_286, %add3A_292 : vector<16xi32>
      tpu.vector_store_idx %arg5[%add3A_293], %shift_left3A_291 {add = true} : memref<16384xi32, #tpu.memory_space<vmem>>[vector<16xi32>], vector<16xi32>,
      %get3A_294 = arith.index_cast %add3A_239 : i32 to index
      %get3A_295 = arith.constant 64 : index
      %get3A_296 = tpu.vector_load %arg4[%get3A_294, %get3A_295] {strides = array<i32>} : memref<128x200xi32, #tpu.memory_space<vmem>>, vector<16xi32>,
      %shift_right_logical3A_297 = arith.constant 2 : i32
      %shift_right_logical3A_298 = vector.broadcast %shift_right_logical3A_297 : i32 to vector<16xi32>
      %shift_right_logical3A_299 = arith.shrui %get3A_296, %shift_right_logical3A_298 : vector<16xi32>
      %and3A_300 = arith.andi %get3A_296, %broadcast_in_dim3A_10 : vector<16xi32>
      %shift_left3A_301 = arith.constant 3 : i32
      %shift_left3A_302 = vector.broadcast %shift_left3A_301 : i32 to vector<16xi32>
      %shift_left3A_303 = arith.shli %and3A_300, %shift_left3A_302 : vector<16xi32>
      %shift_left3A_304 = arith.shli %broadcast_in_dim3A_8, %shift_left3A_303 : vector<16xi32>
      %add3A_305 = vector.broadcast %mul3A_241 : i32 to vector<16xi32>
      %add3A_306 = arith.addi %shift_right_logical3A_299, %add3A_305 : vector<16xi32>
      tpu.vector_store_idx %arg5[%add3A_306], %shift_left3A_304 {add = true} : memref<16384xi32, #tpu.memory_space<vmem>>[vector<16xi32>], vector<16xi32>,
      %get3A_307 = arith.index_cast %add3A_239 : i32 to index
      %get3A_308 = arith.constant 80 : index
      %get3A_309 = tpu.vector_load %arg4[%get3A_307, %get3A_308] {strides = array<i32>} : memref<128x200xi32, #tpu.memory_space<vmem>>, vector<16xi32>,
      %shift_right_logical3A_310 = arith.constant 2 : i32
      %shift_right_logical3A_311 = vector.broadcast %shift_right_logical3A_310 : i32 to vector<16xi32>
      %shift_right_logical3A_312 = arith.shrui %get3A_309, %shift_right_logical3A_311 : vector<16xi32>
      %and3A_313 = arith.andi %get3A_309, %broadcast_in_dim3A_10 : vector<16xi32>
      %shift_left3A_314 = arith.constant 3 : i32
      %shift_left3A_315 = vector.broadcast %shift_left3A_314 : i32 to vector<16xi32>
      %shift_left3A_316 = arith.shli %and3A_313, %shift_left3A_315 : vector<16xi32>
      %shift_left3A_317 = arith.shli %broadcast_in_dim3A_8, %shift_left3A_316 : vector<16xi32>
      %add3A_318 = vector.broadcast %mul3A_241 : i32 to vector<16xi32>
      %add3A_319 = arith.addi %shift_right_logical3A_312, %add3A_318 : vector<16xi32>
      tpu.vector_store_idx %arg5[%add3A_319], %shift_left3A_317 {add = true} : memref<16384xi32, #tpu.memory_space<vmem>>[vector<16xi32>], vector<16xi32>,
      %get3A_320 = arith.index_cast %add3A_239 : i32 to index
      %get3A_321 = arith.constant 96 : index
      %get3A_322 = tpu.vector_load %arg4[%get3A_320, %get3A_321] {strides = array<i32>} : memref<128x200xi32, #tpu.memory_space<vmem>>, vector<16xi32>,
      %shift_right_logical3A_323 = arith.constant 2 : i32
      %shift_right_logical3A_324 = vector.broadcast %shift_right_logical3A_323 : i32 to vector<16xi32>
      %shift_right_logical3A_325 = arith.shrui %get3A_322, %shift_right_logical3A_324 : vector<16xi32>
      %and3A_326 = arith.andi %get3A_322, %broadcast_in_dim3A_10 : vector<16xi32>
      %shift_left3A_327 = arith.constant 3 : i32
      %shift_left3A_328 = vector.broadcast %shift_left3A_327 : i32 to vector<16xi32>
      %shift_left3A_329 = arith.shli %and3A_326, %shift_left3A_328 : vector<16xi32>
      %shift_left3A_330 = arith.shli %broadcast_in_dim3A_8, %shift_left3A_329 : vector<16xi32>
      %add3A_331 = vector.broadcast %mul3A_241 : i32 to vector<16xi32>
      %add3A_332 = arith.addi %shift_right_logical3A_325, %add3A_331 : vector<16xi32>
      tpu.vector_store_idx %arg5[%add3A_332], %shift_left3A_330 {add = true} : memref<16384xi32, #tpu.memory_space<vmem>>[vector<16xi32>], vector<16xi32>,
      %get3A_333 = arith.index_cast %add3A_239 : i32 to index
      %get3A_334 = arith.constant 112 : index
      %get3A_335 = tpu.vector_load %arg4[%get3A_333, %get3A_334] {strides = array<i32>} : memref<128x200xi32, #tpu.memory_space<vmem>>, vector<16xi32>,
      %shift_right_logical3A_336 = arith.constant 2 : i32
      %shift_right_logical3A_337 = vector.broadcast %shift_right_logical3A_336 : i32 to vector<16xi32>
      %shift_right_logical3A_338 = arith.shrui %get3A_335, %shift_right_logical3A_337 : vector<16xi32>
      %and3A_339 = arith.andi %get3A_335, %broadcast_in_dim3A_10 : vector<16xi32>
      %shift_left3A_340 = arith.constant 3 : i32
      %shift_left3A_341 = vector.broadcast %shift_left3A_340 : i32 to vector<16xi32>
      %shift_left3A_342 = arith.shli %and3A_339, %shift_left3A_341 : vector<16xi32>
      %shift_left3A_343 = arith.shli %broadcast_in_dim3A_8, %shift_left3A_342 : vector<16xi32>
      %add3A_344 = vector.broadcast %mul3A_241 : i32 to vector<16xi32>
      %add3A_345 = arith.addi %shift_right_logical3A_338, %add3A_344 : vector<16xi32>
      tpu.vector_store_idx %arg5[%add3A_345], %shift_left3A_343 {add = true} : memref<16384xi32, #tpu.memory_space<vmem>>[vector<16xi32>], vector<16xi32>,
      %get3A_346 = arith.index_cast %add3A_239 : i32 to index
      %get3A_347 = arith.constant 128 : index
      %get3A_348 = tpu.vector_load %arg4[%get3A_346, %get3A_347] {strides = array<i32>} : memref<128x200xi32, #tpu.memory_space<vmem>>, vector<16xi32>,
      %shift_right_logical3A_349 = arith.constant 2 : i32
      %shift_right_logical3A_350 = vector.broadcast %shift_right_logical3A_349 : i32 to vector<16xi32>
      %shift_right_logical3A_351 = arith.shrui %get3A_348, %shift_right_logical3A_350 : vector<16xi32>
      %and3A_352 = arith.andi %get3A_348, %broadcast_in_dim3A_10 : vector<16xi32>
      %shift_left3A_353 = arith.constant 3 : i32
      %shift_left3A_354 = vector.broadcast %shift_left3A_353 : i32 to vector<16xi32>
      %shift_left3A_355 = arith.shli %and3A_352, %shift_left3A_354 : vector<16xi32>
      %shift_left3A_356 = arith.shli %broadcast_in_dim3A_8, %shift_left3A_355 : vector<16xi32>
      %add3A_357 = vector.broadcast %mul3A_241 : i32 to vector<16xi32>
      %add3A_358 = arith.addi %shift_right_logical3A_351, %add3A_357 : vector<16xi32>
      tpu.vector_store_idx %arg5[%add3A_358], %shift_left3A_356 {add = true} : memref<16384xi32, #tpu.memory_space<vmem>>[vector<16xi32>], vector<16xi32>,
      %get3A_359 = arith.index_cast %add3A_239 : i32 to index
      %get3A_360 = arith.constant 144 : index
      %get3A_361 = tpu.vector_load %arg4[%get3A_359, %get3A_360] {strides = array<i32>} : memref<128x200xi32, #tpu.memory_space<vmem>>, vector<16xi32>,
      %shift_right_logical3A_362 = arith.constant 2 : i32
      %shift_right_logical3A_363 = vector.broadcast %shift_right_logical3A_362 : i32 to vector<16xi32>
      %shift_right_logical3A_364 = arith.shrui %get3A_361, %shift_right_logical3A_363 : vector<16xi32>
      %and3A_365 = arith.andi %get3A_361, %broadcast_in_dim3A_10 : vector<16xi32>
      %shift_left3A_366 = arith.constant 3 : i32
      %shift_left3A_367 = vector.broadcast %shift_left3A_366 : i32 to vector<16xi32>
      %shift_left3A_368 = arith.shli %and3A_365, %shift_left3A_367 : vector<16xi32>
      %shift_left3A_369 = arith.shli %broadcast_in_dim3A_8, %shift_left3A_368 : vector<16xi32>
      %add3A_370 = vector.broadcast %mul3A_241 : i32 to vector<16xi32>
      %add3A_371 = arith.addi %shift_right_logical3A_364, %add3A_370 : vector<16xi32>
      tpu.vector_store_idx %arg5[%add3A_371], %shift_left3A_369 {add = true} : memref<16384xi32, #tpu.memory_space<vmem>>[vector<16xi32>], vector<16xi32>,
      %get3A_372 = arith.index_cast %add3A_239 : i32 to index
      %get3A_373 = arith.constant 160 : index
      %get3A_374 = tpu.vector_load %arg4[%get3A_372, %get3A_373] {strides = array<i32>} : memref<128x200xi32, #tpu.memory_space<vmem>>, vector<16xi32>,
      %shift_right_logical3A_375 = arith.constant 2 : i32
      %shift_right_logical3A_376 = vector.broadcast %shift_right_logical3A_375 : i32 to vector<16xi32>
      %shift_right_logical3A_377 = arith.shrui %get3A_374, %shift_right_logical3A_376 : vector<16xi32>
      %and3A_378 = arith.andi %get3A_374, %broadcast_in_dim3A_10 : vector<16xi32>
      %shift_left3A_379 = arith.constant 3 : i32
      %shift_left3A_380 = vector.broadcast %shift_left3A_379 : i32 to vector<16xi32>
      %shift_left3A_381 = arith.shli %and3A_378, %shift_left3A_380 : vector<16xi32>
      %shift_left3A_382 = arith.shli %broadcast_in_dim3A_8, %shift_left3A_381 : vector<16xi32>
      %add3A_383 = vector.broadcast %mul3A_241 : i32 to vector<16xi32>
      %add3A_384 = arith.addi %shift_right_logical3A_377, %add3A_383 : vector<16xi32>
      tpu.vector_store_idx %arg5[%add3A_384], %shift_left3A_382 {add = true} : memref<16384xi32, #tpu.memory_space<vmem>>[vector<16xi32>], vector<16xi32>,
      %get3A_385 = arith.index_cast %add3A_239 : i32 to index
      %get3A_386 = arith.constant 176 : index
      %get3A_387 = tpu.vector_load %arg4[%get3A_385, %get3A_386] {strides = array<i32>} : memref<128x200xi32, #tpu.memory_space<vmem>>, vector<16xi32>,
      %shift_right_logical3A_388 = arith.constant 2 : i32
      %shift_right_logical3A_389 = vector.broadcast %shift_right_logical3A_388 : i32 to vector<16xi32>
      %shift_right_logical3A_390 = arith.shrui %get3A_387, %shift_right_logical3A_389 : vector<16xi32>
      %and3A_391 = arith.andi %get3A_387, %broadcast_in_dim3A_10 : vector<16xi32>
      %shift_left3A_392 = arith.constant 3 : i32
      %shift_left3A_393 = vector.broadcast %shift_left3A_392 : i32 to vector<16xi32>
      %shift_left3A_394 = arith.shli %and3A_391, %shift_left3A_393 : vector<16xi32>
      %shift_left3A_395 = arith.shli %broadcast_in_dim3A_8, %shift_left3A_394 : vector<16xi32>
      %add3A_396 = vector.broadcast %mul3A_241 : i32 to vector<16xi32>
      %add3A_397 = arith.addi %shift_right_logical3A_390, %add3A_396 : vector<16xi32>
      tpu.vector_store_idx %arg5[%add3A_397], %shift_left3A_395 {add = true} : memref<16384xi32, #tpu.memory_space<vmem>>[vector<16xi32>], vector<16xi32>,
      %get3A_398 = arith.index_cast %add3A_239 : i32 to index
      %get3A_399 = arith.constant 184 : index
      %get3A_400 = tpu.vector_load %arg4[%get3A_398, %get3A_399] {strides = array<i32>} : memref<128x200xi32, #tpu.memory_space<vmem>>, vector<16xi32>,
      %shift_right_logical3A_401 = arith.constant 2 : i32
      %shift_right_logical3A_402 = vector.broadcast %shift_right_logical3A_401 : i32 to vector<16xi32>
      %shift_right_logical3A_403 = arith.shrui %get3A_400, %shift_right_logical3A_402 : vector<16xi32>
      %and3A_404 = arith.andi %get3A_400, %broadcast_in_dim3A_10 : vector<16xi32>
      %shift_left3A_405 = arith.constant 3 : i32
      %shift_left3A_406 = vector.broadcast %shift_left3A_405 : i32 to vector<16xi32>
      %shift_left3A_407 = arith.shli %and3A_404, %shift_left3A_406 : vector<16xi32>
      %shift_left3A_408 = arith.shli %broadcast_in_dim3A_8, %shift_left3A_407 : vector<16xi32>
      %add3A_409 = vector.broadcast %mul3A_241 : i32 to vector<16xi32>
      %add3A_410 = arith.addi %shift_right_logical3A_403, %add3A_409 : vector<16xi32>
      tpu.vector_store_idx %arg5[%add3A_410], %shift_left3A_408 masked %ge3A_12 {add = true} : memref<16384xi32, #tpu.memory_space<vmem>>[vector<16xi32>], vector<16xi32>, vector<16xi1>
      %scan3A_411 = arith.constant 0 : i32
      scf.yield %scan3A_411 : i32
    }
    %scan3A_28 = arith.constant 32 : i32
    %add3A_29 = arith.constant 0 : i32
    %add3A_30 = arith.addi %mul3A_2, %add3A_29 : i32
    %mul3A_31 = arith.constant 256 : i32
    %mul3A_32 = arith.muli %add3A_30, %mul3A_31 : i32
    %dma_start3A_33 = tpu.memref_slice %arg3[%mul3A_32] : memref<1048576xi32, #tpu.memory_space<hbm>> -> memref<16384xi32, #tpu.memory_space<hbm>>
    %dma_start3A_34 = tpu.memref_slice %arg3[%mul3A_32] : memref<1048576xi32, #tpu.memory_space<hbm>> -> memref<16384xi32, #tpu.memory_space<hbm>>
    tpu.enqueue_dma source(%arg5 : memref<16384xi32, #tpu.memory_space<vmem>>) target(%dma_start3A_34 : memref<16384xi32, #tpu.memory_space<hbm>>) target_semaphore(%arg7 : memref<!tpu.dma_semaphore, #tpu.memory_space<semaphore_mem>>)
    %scan3A_35 = arith.constant 0 : i32
    %scan3A_36 = arith.constant 0 : i32
    %scan3A_37 = arith.constant 64 : i32
    %scan3A_38 = arith.addi %scan3A_36, %scan3A_37 : i32
    %scan3A_39 = arith.constant 1 : i32
    %scan3A_40 = scf.for %scan3A_59 = %scan3A_36 to %scan3A_38 step %scan3A_39 iter_args(%scan3A_60 = %scan3A_35) -> (i32)  : i32 {
      %mul3A_61 = arith.constant 256 : i32
      %mul3A_62 = arith.muli %scan3A_59, %mul3A_61 : i32
      %add3A_63 = arith.constant 0 : i32
      %add3A_64 = arith.addi %mul3A_62, %add3A_63 : i32
      %swap3A = arith.index_cast %add3A_64 : i32 to index
      %swap3A_65 = tpu.vector_load %arg6[%swap3A] {strides = array<i32>} : memref<16384xi32, #tpu.memory_space<vmem>>, vector<16xi32>,
      tpu.vector_store %arg6[%swap3A], %broadcast_in_dim3A_6 {strides = array<i32>} : memref<16384xi32, #tpu.memory_space<vmem>>, vector<16xi32>,
      %mul3A_66 = arith.constant 256 : i32
      %mul3A_67 = arith.muli %scan3A_59, %mul3A_66 : i32
      %add3A_68 = arith.constant 16 : i32
      %add3A_69 = arith.addi %mul3A_67, %add3A_68 : i32
      %swap3A_70 = arith.index_cast %add3A_69 : i32 to index
      %swap3A_71 = tpu.vector_load %arg6[%swap3A_70] {strides = array<i32>} : memref<16384xi32, #tpu.memory_space<vmem>>, vector<16xi32>,
      tpu.vector_store %arg6[%swap3A_70], %broadcast_in_dim3A_6 {strides = array<i32>} : memref<16384xi32, #tpu.memory_space<vmem>>, vector<16xi32>,
      %mul3A_72 = arith.constant 256 : i32
      %mul3A_73 = arith.muli %scan3A_59, %mul3A_72 : i32
      %add3A_74 = arith.constant 32 : i32
      %add3A_75 = arith.addi %mul3A_73, %add3A_74 : i32
      %swap3A_76 = arith.index_cast %add3A_75 : i32 to index
      %swap3A_77 = tpu.vector_load %arg6[%swap3A_76] {strides = array<i32>} : memref<16384xi32, #tpu.memory_space<vmem>>, vector<16xi32>,
      tpu.vector_store %arg6[%swap3A_76], %broadcast_in_dim3A_6 {strides = array<i32>} : memref<16384xi32, #tpu.memory_space<vmem>>, vector<16xi32>,
      %mul3A_78 = arith.constant 256 : i32
      %mul3A_79 = arith.muli %scan3A_59, %mul3A_78 : i32
      %add3A_80 = arith.constant 48 : i32
      %add3A_81 = arith.addi %mul3A_79, %add3A_80 : i32
      %swap3A_82 = arith.index_cast %add3A_81 : i32 to index
      %swap3A_83 = tpu.vector_load %arg6[%swap3A_82] {strides = array<i32>} : memref<16384xi32, #tpu.memory_space<vmem>>, vector<16xi32>,
      tpu.vector_store %arg6[%swap3A_82], %broadcast_in_dim3A_6 {strides = array<i32>} : memref<16384xi32, #tpu.memory_space<vmem>>, vector<16xi32>,
      %mul3A_84 = arith.constant 256 : i32
      %mul3A_85 = arith.muli %scan3A_59, %mul3A_84 : i32
      %add3A_86 = arith.constant 64 : i32
      %add3A_87 = arith.addi %mul3A_85, %add3A_86 : i32
      %swap3A_88 = arith.index_cast %add3A_87 : i32 to index
      %swap3A_89 = tpu.vector_load %arg6[%swap3A_88] {strides = array<i32>} : memref<16384xi32, #tpu.memory_space<vmem>>, vector<16xi32>,
      tpu.vector_store %arg6[%swap3A_88], %broadcast_in_dim3A_6 {strides = array<i32>} : memref<16384xi32, #tpu.memory_space<vmem>>, vector<16xi32>,
      %mul3A_90 = arith.constant 256 : i32
      %mul3A_91 = arith.muli %scan3A_59, %mul3A_90 : i32
      %add3A_92 = arith.constant 80 : i32
      %add3A_93 = arith.addi %mul3A_91, %add3A_92 : i32
      %swap3A_94 = arith.index_cast %add3A_93 : i32 to index
      %swap3A_95 = tpu.vector_load %arg6[%swap3A_94] {strides = array<i32>} : memref<16384xi32, #tpu.memory_space<vmem>>, vector<16xi32>,
      tpu.vector_store %arg6[%swap3A_94], %broadcast_in_dim3A_6 {strides = array<i32>} : memref<16384xi32, #tpu.memory_space<vmem>>, vector<16xi32>,
      %mul3A_96 = arith.constant 256 : i32
      %mul3A_97 = arith.muli %scan3A_59, %mul3A_96 : i32
      %add3A_98 = arith.constant 96 : i32
      %add3A_99 = arith.addi %mul3A_97, %add3A_98 : i32
      %swap3A_100 = arith.index_cast %add3A_99 : i32 to index
      %swap3A_101 = tpu.vector_load %arg6[%swap3A_100] {strides = array<i32>} : memref<16384xi32, #tpu.memory_space<vmem>>, vector<16xi32>,
      tpu.vector_store %arg6[%swap3A_100], %broadcast_in_dim3A_6 {strides = array<i32>} : memref<16384xi32, #tpu.memory_space<vmem>>, vector<16xi32>,
      %mul3A_102 = arith.constant 256 : i32
      %mul3A_103 = arith.muli %scan3A_59, %mul3A_102 : i32
      %add3A_104 = arith.constant 112 : i32
      %add3A_105 = arith.addi %mul3A_103, %add3A_104 : i32
      %swap3A_106 = arith.index_cast %add3A_105 : i32 to index
      %swap3A_107 = tpu.vector_load %arg6[%swap3A_106] {strides = array<i32>} : memref<16384xi32, #tpu.memory_space<vmem>>, vector<16xi32>,
      tpu.vector_store %arg6[%swap3A_106], %broadcast_in_dim3A_6 {strides = array<i32>} : memref<16384xi32, #tpu.memory_space<vmem>>, vector<16xi32>,
      %mul3A_108 = arith.constant 256 : i32
      %mul3A_109 = arith.muli %scan3A_59, %mul3A_108 : i32
      %add3A_110 = arith.constant 128 : i32
      %add3A_111 = arith.addi %mul3A_109, %add3A_110 : i32
      %swap3A_112 = arith.index_cast %add3A_111 : i32 to index
      %swap3A_113 = tpu.vector_load %arg6[%swap3A_112] {strides = array<i32>} : memref<16384xi32, #tpu.memory_space<vmem>>, vector<16xi32>,
      tpu.vector_store %arg6[%swap3A_112], %broadcast_in_dim3A_6 {strides = array<i32>} : memref<16384xi32, #tpu.memory_space<vmem>>, vector<16xi32>,
      %mul3A_114 = arith.constant 256 : i32
      %mul3A_115 = arith.muli %scan3A_59, %mul3A_114 : i32
      %add3A_116 = arith.constant 144 : i32
      %add3A_117 = arith.addi %mul3A_115, %add3A_116 : i32
      %swap3A_118 = arith.index_cast %add3A_117 : i32 to index
      %swap3A_119 = tpu.vector_load %arg6[%swap3A_118] {strides = array<i32>} : memref<16384xi32, #tpu.memory_space<vmem>>, vector<16xi32>,
      tpu.vector_store %arg6[%swap3A_118], %broadcast_in_dim3A_6 {strides = array<i32>} : memref<16384xi32, #tpu.memory_space<vmem>>, vector<16xi32>,
      %mul3A_120 = arith.constant 256 : i32
      %mul3A_121 = arith.muli %scan3A_59, %mul3A_120 : i32
      %add3A_122 = arith.constant 160 : i32
      %add3A_123 = arith.addi %mul3A_121, %add3A_122 : i32
      %swap3A_124 = arith.index_cast %add3A_123 : i32 to index
      %swap3A_125 = tpu.vector_load %arg6[%swap3A_124] {strides = array<i32>} : memref<16384xi32, #tpu.memory_space<vmem>>, vector<16xi32>,
      tpu.vector_store %arg6[%swap3A_124], %broadcast_in_dim3A_6 {strides = array<i32>} : memref<16384xi32, #tpu.memory_space<vmem>>, vector<16xi32>,
      %mul3A_126 = arith.constant 256 : i32
      %mul3A_127 = arith.muli %scan3A_59, %mul3A_126 : i32
      %add3A_128 = arith.constant 176 : i32
      %add3A_129 = arith.addi %mul3A_127, %add3A_128 : i32
      %swap3A_130 = arith.index_cast %add3A_129 : i32 to index
      %swap3A_131 = tpu.vector_load %arg6[%swap3A_130] {strides = array<i32>} : memref<16384xi32, #tpu.memory_space<vmem>>, vector<16xi32>,
      tpu.vector_store %arg6[%swap3A_130], %broadcast_in_dim3A_6 {strides = array<i32>} : memref<16384xi32, #tpu.memory_space<vmem>>, vector<16xi32>,
      %mul3A_132 = arith.constant 256 : i32
      %mul3A_133 = arith.muli %scan3A_59, %mul3A_132 : i32
      %add3A_134 = arith.constant 192 : i32
      %add3A_135 = arith.addi %mul3A_133, %add3A_134 : i32
      %swap3A_136 = arith.index_cast %add3A_135 : i32 to index
      %swap3A_137 = tpu.vector_load %arg6[%swap3A_136] {strides = array<i32>} : memref<16384xi32, #tpu.memory_space<vmem>>, vector<16xi32>,
      tpu.vector_store %arg6[%swap3A_136], %broadcast_in_dim3A_6 {strides = array<i32>} : memref<16384xi32, #tpu.memory_space<vmem>>, vector<16xi32>,
      %mul3A_138 = arith.constant 256 : i32
      %mul3A_139 = arith.muli %scan3A_59, %mul3A_138 : i32
      %add3A_140 = arith.constant 208 : i32
      %add3A_141 = arith.addi %mul3A_139, %add3A_140 : i32
      %swap3A_142 = arith.index_cast %add3A_141 : i32 to index
      %swap3A_143 = tpu.vector_load %arg6[%swap3A_142] {strides = array<i32>} : memref<16384xi32, #tpu.memory_space<vmem>>, vector<16xi32>,
      tpu.vector_store %arg6[%swap3A_142], %broadcast_in_dim3A_6 {strides = array<i32>} : memref<16384xi32, #tpu.memory_space<vmem>>, vector<16xi32>,
      %mul3A_144 = arith.constant 256 : i32
      %mul3A_145 = arith.muli %scan3A_59, %mul3A_144 : i32
      %add3A_146 = arith.constant 224 : i32
      %add3A_147 = arith.addi %mul3A_145, %add3A_146 : i32
      %swap3A_148 = arith.index_cast %add3A_147 : i32 to index
      %swap3A_149 = tpu.vector_load %arg6[%swap3A_148] {strides = array<i32>} : memref<16384xi32, #tpu.memory_space<vmem>>, vector<16xi32>,
      tpu.vector_store %arg6[%swap3A_148], %broadcast_in_dim3A_6 {strides = array<i32>} : memref<16384xi32, #tpu.memory_space<vmem>>, vector<16xi32>,
      %mul3A_150 = arith.constant 256 : i32
      %mul3A_151 = arith.muli %scan3A_59, %mul3A_150 : i32
      %add3A_152 = arith.constant 240 : i32
      %add3A_153 = arith.addi %mul3A_151, %add3A_152 : i32
      %swap3A_154 = arith.index_cast %add3A_153 : i32 to index
      %swap3A_155 = tpu.vector_load %arg6[%swap3A_154] {strides = array<i32>} : memref<16384xi32, #tpu.memory_space<vmem>>, vector<16xi32>,
      tpu.vector_store %arg6[%swap3A_154], %broadcast_in_dim3A_6 {strides = array<i32>} : memref<16384xi32, #tpu.memory_space<vmem>>, vector<16xi32>,
      %scan3A_156 = arith.constant 0 : i32
      scf.yield %scan3A_156 : i32
    }
    %scan3A_41 = arith.constant 64 : i32
    %scan3A_42 = arith.constant 0 : i32
    %scan3A_43 = arith.constant 0 : i32
    %scan3A_44 = arith.constant 32 : i32
    %scan3A_45 = arith.addi %scan3A_43, %scan3A_44 : i32
    %scan3A_46 = arith.constant 1 : i32
    %scan3A_47 = scf.for %scan3A_59 = %scan3A_43 to %scan3A_45 step %scan3A_46 iter_args(%scan3A_60 = %scan3A_42) -> (i32)  : i32 {
      %mul3A_61 = arith.constant 2 : i32
      %mul3A_62 = arith.muli %scan3A_59, %mul3A_61 : i32
      %add3A_63 = arith.constant 0 : i32
      %add3A_64 = arith.addi %mul3A_62, %add3A_63 : i32
      %add3A_65 = arith.constant 64 : i32
      %add3A_66 = arith.addi %add3A_65, %add3A_64 : i32
      %mul3A_67 = arith.constant 256 : i32
      %mul3A_68 = arith.muli %add3A_64, %mul3A_67 : i32
      %get3A = arith.index_cast %add3A_66 : i32 to index
      %get3A_69 = arith.constant 0 : index
      %get3A_70 = tpu.vector_load %arg4[%get3A, %get3A_69] {strides = array<i32>} : memref<128x200xi32, #tpu.memory_space<vmem>>, vector<16xi32>,
      %shift_right_logical3A = arith.constant 2 : i32
      %shift_right_logical3A_71 = vector.broadcast %shift_right_logical3A : i32 to vector<16xi32>
      %shift_right_logical3A_72 = arith.shrui %get3A_70, %shift_right_logical3A_71 : vector<16xi32>
      %and3A = arith.andi %get3A_70, %broadcast_in_dim3A_10 : vector<16xi32>
      %shift_left3A = arith.constant 3 : i32
      %shift_left3A_73 = vector.broadcast %shift_left3A : i32 to vector<16xi32>
      %shift_left3A_74 = arith.shli %and3A, %shift_left3A_73 : vector<16xi32>
      %shift_left3A_75 = arith.shli %broadcast_in_dim3A_8, %shift_left3A_74 : vector<16xi32>
      %add3A_76 = vector.broadcast %mul3A_68 : i32 to vector<16xi32>
      %add3A_77 = arith.addi %shift_right_logical3A_72, %add3A_76 : vector<16xi32>
      tpu.vector_store_idx %arg6[%add3A_77], %shift_left3A_75 {add = true} : memref<16384xi32, #tpu.memory_space<vmem>>[vector<16xi32>], vector<16xi32>,
      %get3A_78 = arith.index_cast %add3A_66 : i32 to index
      %get3A_79 = arith.constant 16 : index
      %get3A_80 = tpu.vector_load %arg4[%get3A_78, %get3A_79] {strides = array<i32>} : memref<128x200xi32, #tpu.memory_space<vmem>>, vector<16xi32>,
      %shift_right_logical3A_81 = arith.constant 2 : i32
      %shift_right_logical3A_82 = vector.broadcast %shift_right_logical3A_81 : i32 to vector<16xi32>
      %shift_right_logical3A_83 = arith.shrui %get3A_80, %shift_right_logical3A_82 : vector<16xi32>
      %and3A_84 = arith.andi %get3A_80, %broadcast_in_dim3A_10 : vector<16xi32>
      %shift_left3A_85 = arith.constant 3 : i32
      %shift_left3A_86 = vector.broadcast %shift_left3A_85 : i32 to vector<16xi32>
      %shift_left3A_87 = arith.shli %and3A_84, %shift_left3A_86 : vector<16xi32>
      %shift_left3A_88 = arith.shli %broadcast_in_dim3A_8, %shift_left3A_87 : vector<16xi32>
      %add3A_89 = vector.broadcast %mul3A_68 : i32 to vector<16xi32>
      %add3A_90 = arith.addi %shift_right_logical3A_83, %add3A_89 : vector<16xi32>
      tpu.vector_store_idx %arg6[%add3A_90], %shift_left3A_88 {add = true} : memref<16384xi32, #tpu.memory_space<vmem>>[vector<16xi32>], vector<16xi32>,
      %get3A_91 = arith.index_cast %add3A_66 : i32 to index
      %get3A_92 = arith.constant 32 : index
      %get3A_93 = tpu.vector_load %arg4[%get3A_91, %get3A_92] {strides = array<i32>} : memref<128x200xi32, #tpu.memory_space<vmem>>, vector<16xi32>,
      %shift_right_logical3A_94 = arith.constant 2 : i32
      %shift_right_logical3A_95 = vector.broadcast %shift_right_logical3A_94 : i32 to vector<16xi32>
      %shift_right_logical3A_96 = arith.shrui %get3A_93, %shift_right_logical3A_95 : vector<16xi32>
      %and3A_97 = arith.andi %get3A_93, %broadcast_in_dim3A_10 : vector<16xi32>
      %shift_left3A_98 = arith.constant 3 : i32
      %shift_left3A_99 = vector.broadcast %shift_left3A_98 : i32 to vector<16xi32>
      %shift_left3A_100 = arith.shli %and3A_97, %shift_left3A_99 : vector<16xi32>
      %shift_left3A_101 = arith.shli %broadcast_in_dim3A_8, %shift_left3A_100 : vector<16xi32>
      %add3A_102 = vector.broadcast %mul3A_68 : i32 to vector<16xi32>
      %add3A_103 = arith.addi %shift_right_logical3A_96, %add3A_102 : vector<16xi32>
      tpu.vector_store_idx %arg6[%add3A_103], %shift_left3A_101 {add = true} : memref<16384xi32, #tpu.memory_space<vmem>>[vector<16xi32>], vector<16xi32>,
      %get3A_104 = arith.index_cast %add3A_66 : i32 to index
      %get3A_105 = arith.constant 48 : index
      %get3A_106 = tpu.vector_load %arg4[%get3A_104, %get3A_105] {strides = array<i32>} : memref<128x200xi32, #tpu.memory_space<vmem>>, vector<16xi32>,
      %shift_right_logical3A_107 = arith.constant 2 : i32
      %shift_right_logical3A_108 = vector.broadcast %shift_right_logical3A_107 : i32 to vector<16xi32>
      %shift_right_logical3A_109 = arith.shrui %get3A_106, %shift_right_logical3A_108 : vector<16xi32>
      %and3A_110 = arith.andi %get3A_106, %broadcast_in_dim3A_10 : vector<16xi32>
      %shift_left3A_111 = arith.constant 3 : i32
      %shift_left3A_112 = vector.broadcast %shift_left3A_111 : i32 to vector<16xi32>
      %shift_left3A_113 = arith.shli %and3A_110, %shift_left3A_112 : vector<16xi32>
      %shift_left3A_114 = arith.shli %broadcast_in_dim3A_8, %shift_left3A_113 : vector<16xi32>
      %add3A_115 = vector.broadcast %mul3A_68 : i32 to vector<16xi32>
      %add3A_116 = arith.addi %shift_right_logical3A_109, %add3A_115 : vector<16xi32>
      tpu.vector_store_idx %arg6[%add3A_116], %shift_left3A_114 {add = true} : memref<16384xi32, #tpu.memory_space<vmem>>[vector<16xi32>], vector<16xi32>,
      %get3A_117 = arith.index_cast %add3A_66 : i32 to index
      %get3A_118 = arith.constant 64 : index
      %get3A_119 = tpu.vector_load %arg4[%get3A_117, %get3A_118] {strides = array<i32>} : memref<128x200xi32, #tpu.memory_space<vmem>>, vector<16xi32>,
      %shift_right_logical3A_120 = arith.constant 2 : i32
      %shift_right_logical3A_121 = vector.broadcast %shift_right_logical3A_120 : i32 to vector<16xi32>
      %shift_right_logical3A_122 = arith.shrui %get3A_119, %shift_right_logical3A_121 : vector<16xi32>
      %and3A_123 = arith.andi %get3A_119, %broadcast_in_dim3A_10 : vector<16xi32>
      %shift_left3A_124 = arith.constant 3 : i32
      %shift_left3A_125 = vector.broadcast %shift_left3A_124 : i32 to vector<16xi32>
      %shift_left3A_126 = arith.shli %and3A_123, %shift_left3A_125 : vector<16xi32>
      %shift_left3A_127 = arith.shli %broadcast_in_dim3A_8, %shift_left3A_126 : vector<16xi32>
      %add3A_128 = vector.broadcast %mul3A_68 : i32 to vector<16xi32>
      %add3A_129 = arith.addi %shift_right_logical3A_122, %add3A_128 : vector<16xi32>
      tpu.vector_store_idx %arg6[%add3A_129], %shift_left3A_127 {add = true} : memref<16384xi32, #tpu.memory_space<vmem>>[vector<16xi32>], vector<16xi32>,
      %get3A_130 = arith.index_cast %add3A_66 : i32 to index
      %get3A_131 = arith.constant 80 : index
      %get3A_132 = tpu.vector_load %arg4[%get3A_130, %get3A_131] {strides = array<i32>} : memref<128x200xi32, #tpu.memory_space<vmem>>, vector<16xi32>,
      %shift_right_logical3A_133 = arith.constant 2 : i32
      %shift_right_logical3A_134 = vector.broadcast %shift_right_logical3A_133 : i32 to vector<16xi32>
      %shift_right_logical3A_135 = arith.shrui %get3A_132, %shift_right_logical3A_134 : vector<16xi32>
      %and3A_136 = arith.andi %get3A_132, %broadcast_in_dim3A_10 : vector<16xi32>
      %shift_left3A_137 = arith.constant 3 : i32
      %shift_left3A_138 = vector.broadcast %shift_left3A_137 : i32 to vector<16xi32>
      %shift_left3A_139 = arith.shli %and3A_136, %shift_left3A_138 : vector<16xi32>
      %shift_left3A_140 = arith.shli %broadcast_in_dim3A_8, %shift_left3A_139 : vector<16xi32>
      %add3A_141 = vector.broadcast %mul3A_68 : i32 to vector<16xi32>
      %add3A_142 = arith.addi %shift_right_logical3A_135, %add3A_141 : vector<16xi32>
      tpu.vector_store_idx %arg6[%add3A_142], %shift_left3A_140 {add = true} : memref<16384xi32, #tpu.memory_space<vmem>>[vector<16xi32>], vector<16xi32>,
      %get3A_143 = arith.index_cast %add3A_66 : i32 to index
      %get3A_144 = arith.constant 96 : index
      %get3A_145 = tpu.vector_load %arg4[%get3A_143, %get3A_144] {strides = array<i32>} : memref<128x200xi32, #tpu.memory_space<vmem>>, vector<16xi32>,
      %shift_right_logical3A_146 = arith.constant 2 : i32
      %shift_right_logical3A_147 = vector.broadcast %shift_right_logical3A_146 : i32 to vector<16xi32>
      %shift_right_logical3A_148 = arith.shrui %get3A_145, %shift_right_logical3A_147 : vector<16xi32>
      %and3A_149 = arith.andi %get3A_145, %broadcast_in_dim3A_10 : vector<16xi32>
      %shift_left3A_150 = arith.constant 3 : i32
      %shift_left3A_151 = vector.broadcast %shift_left3A_150 : i32 to vector<16xi32>
      %shift_left3A_152 = arith.shli %and3A_149, %shift_left3A_151 : vector<16xi32>
      %shift_left3A_153 = arith.shli %broadcast_in_dim3A_8, %shift_left3A_152 : vector<16xi32>
      %add3A_154 = vector.broadcast %mul3A_68 : i32 to vector<16xi32>
      %add3A_155 = arith.addi %shift_right_logical3A_148, %add3A_154 : vector<16xi32>
      tpu.vector_store_idx %arg6[%add3A_155], %shift_left3A_153 {add = true} : memref<16384xi32, #tpu.memory_space<vmem>>[vector<16xi32>], vector<16xi32>,
      %get3A_156 = arith.index_cast %add3A_66 : i32 to index
      %get3A_157 = arith.constant 112 : index
      %get3A_158 = tpu.vector_load %arg4[%get3A_156, %get3A_157] {strides = array<i32>} : memref<128x200xi32, #tpu.memory_space<vmem>>, vector<16xi32>,
      %shift_right_logical3A_159 = arith.constant 2 : i32
      %shift_right_logical3A_160 = vector.broadcast %shift_right_logical3A_159 : i32 to vector<16xi32>
      %shift_right_logical3A_161 = arith.shrui %get3A_158, %shift_right_logical3A_160 : vector<16xi32>
      %and3A_162 = arith.andi %get3A_158, %broadcast_in_dim3A_10 : vector<16xi32>
      %shift_left3A_163 = arith.constant 3 : i32
      %shift_left3A_164 = vector.broadcast %shift_left3A_163 : i32 to vector<16xi32>
      %shift_left3A_165 = arith.shli %and3A_162, %shift_left3A_164 : vector<16xi32>
      %shift_left3A_166 = arith.shli %broadcast_in_dim3A_8, %shift_left3A_165 : vector<16xi32>
      %add3A_167 = vector.broadcast %mul3A_68 : i32 to vector<16xi32>
      %add3A_168 = arith.addi %shift_right_logical3A_161, %add3A_167 : vector<16xi32>
      tpu.vector_store_idx %arg6[%add3A_168], %shift_left3A_166 {add = true} : memref<16384xi32, #tpu.memory_space<vmem>>[vector<16xi32>], vector<16xi32>,
      %get3A_169 = arith.index_cast %add3A_66 : i32 to index
      %get3A_170 = arith.constant 128 : index
      %get3A_171 = tpu.vector_load %arg4[%get3A_169, %get3A_170] {strides = array<i32>} : memref<128x200xi32, #tpu.memory_space<vmem>>, vector<16xi32>,
      %shift_right_logical3A_172 = arith.constant 2 : i32
      %shift_right_logical3A_173 = vector.broadcast %shift_right_logical3A_172 : i32 to vector<16xi32>
      %shift_right_logical3A_174 = arith.shrui %get3A_171, %shift_right_logical3A_173 : vector<16xi32>
      %and3A_175 = arith.andi %get3A_171, %broadcast_in_dim3A_10 : vector<16xi32>
      %shift_left3A_176 = arith.constant 3 : i32
      %shift_left3A_177 = vector.broadcast %shift_left3A_176 : i32 to vector<16xi32>
      %shift_left3A_178 = arith.shli %and3A_175, %shift_left3A_177 : vector<16xi32>
      %shift_left3A_179 = arith.shli %broadcast_in_dim3A_8, %shift_left3A_178 : vector<16xi32>
      %add3A_180 = vector.broadcast %mul3A_68 : i32 to vector<16xi32>
      %add3A_181 = arith.addi %shift_right_logical3A_174, %add3A_180 : vector<16xi32>
      tpu.vector_store_idx %arg6[%add3A_181], %shift_left3A_179 {add = true} : memref<16384xi32, #tpu.memory_space<vmem>>[vector<16xi32>], vector<16xi32>,
      %get3A_182 = arith.index_cast %add3A_66 : i32 to index
      %get3A_183 = arith.constant 144 : index
      %get3A_184 = tpu.vector_load %arg4[%get3A_182, %get3A_183] {strides = array<i32>} : memref<128x200xi32, #tpu.memory_space<vmem>>, vector<16xi32>,
      %shift_right_logical3A_185 = arith.constant 2 : i32
      %shift_right_logical3A_186 = vector.broadcast %shift_right_logical3A_185 : i32 to vector<16xi32>
      %shift_right_logical3A_187 = arith.shrui %get3A_184, %shift_right_logical3A_186 : vector<16xi32>
      %and3A_188 = arith.andi %get3A_184, %broadcast_in_dim3A_10 : vector<16xi32>
      %shift_left3A_189 = arith.constant 3 : i32
      %shift_left3A_190 = vector.broadcast %shift_left3A_189 : i32 to vector<16xi32>
      %shift_left3A_191 = arith.shli %and3A_188, %shift_left3A_190 : vector<16xi32>
      %shift_left3A_192 = arith.shli %broadcast_in_dim3A_8, %shift_left3A_191 : vector<16xi32>
      %add3A_193 = vector.broadcast %mul3A_68 : i32 to vector<16xi32>
      %add3A_194 = arith.addi %shift_right_logical3A_187, %add3A_193 : vector<16xi32>
      tpu.vector_store_idx %arg6[%add3A_194], %shift_left3A_192 {add = true} : memref<16384xi32, #tpu.memory_space<vmem>>[vector<16xi32>], vector<16xi32>,
      %get3A_195 = arith.index_cast %add3A_66 : i32 to index
      %get3A_196 = arith.constant 160 : index
      %get3A_197 = tpu.vector_load %arg4[%get3A_195, %get3A_196] {strides = array<i32>} : memref<128x200xi32, #tpu.memory_space<vmem>>, vector<16xi32>,
      %shift_right_logical3A_198 = arith.constant 2 : i32
      %shift_right_logical3A_199 = vector.broadcast %shift_right_logical3A_198 : i32 to vector<16xi32>
      %shift_right_logical3A_200 = arith.shrui %get3A_197, %shift_right_logical3A_199 : vector<16xi32>
      %and3A_201 = arith.andi %get3A_197, %broadcast_in_dim3A_10 : vector<16xi32>
      %shift_left3A_202 = arith.constant 3 : i32
      %shift_left3A_203 = vector.broadcast %shift_left3A_202 : i32 to vector<16xi32>
      %shift_left3A_204 = arith.shli %and3A_201, %shift_left3A_203 : vector<16xi32>
      %shift_left3A_205 = arith.shli %broadcast_in_dim3A_8, %shift_left3A_204 : vector<16xi32>
      %add3A_206 = vector.broadcast %mul3A_68 : i32 to vector<16xi32>
      %add3A_207 = arith.addi %shift_right_logical3A_200, %add3A_206 : vector<16xi32>
      tpu.vector_store_idx %arg6[%add3A_207], %shift_left3A_205 {add = true} : memref<16384xi32, #tpu.memory_space<vmem>>[vector<16xi32>], vector<16xi32>,
      %get3A_208 = arith.index_cast %add3A_66 : i32 to index
      %get3A_209 = arith.constant 176 : index
      %get3A_210 = tpu.vector_load %arg4[%get3A_208, %get3A_209] {strides = array<i32>} : memref<128x200xi32, #tpu.memory_space<vmem>>, vector<16xi32>,
      %shift_right_logical3A_211 = arith.constant 2 : i32
      %shift_right_logical3A_212 = vector.broadcast %shift_right_logical3A_211 : i32 to vector<16xi32>
      %shift_right_logical3A_213 = arith.shrui %get3A_210, %shift_right_logical3A_212 : vector<16xi32>
      %and3A_214 = arith.andi %get3A_210, %broadcast_in_dim3A_10 : vector<16xi32>
      %shift_left3A_215 = arith.constant 3 : i32
      %shift_left3A_216 = vector.broadcast %shift_left3A_215 : i32 to vector<16xi32>
      %shift_left3A_217 = arith.shli %and3A_214, %shift_left3A_216 : vector<16xi32>
      %shift_left3A_218 = arith.shli %broadcast_in_dim3A_8, %shift_left3A_217 : vector<16xi32>
      %add3A_219 = vector.broadcast %mul3A_68 : i32 to vector<16xi32>
      %add3A_220 = arith.addi %shift_right_logical3A_213, %add3A_219 : vector<16xi32>
      tpu.vector_store_idx %arg6[%add3A_220], %shift_left3A_218 {add = true} : memref<16384xi32, #tpu.memory_space<vmem>>[vector<16xi32>], vector<16xi32>,
      %get3A_221 = arith.index_cast %add3A_66 : i32 to index
      %get3A_222 = arith.constant 184 : index
      %get3A_223 = tpu.vector_load %arg4[%get3A_221, %get3A_222] {strides = array<i32>} : memref<128x200xi32, #tpu.memory_space<vmem>>, vector<16xi32>,
      %shift_right_logical3A_224 = arith.constant 2 : i32
      %shift_right_logical3A_225 = vector.broadcast %shift_right_logical3A_224 : i32 to vector<16xi32>
      %shift_right_logical3A_226 = arith.shrui %get3A_223, %shift_right_logical3A_225 : vector<16xi32>
      %and3A_227 = arith.andi %get3A_223, %broadcast_in_dim3A_10 : vector<16xi32>
      %shift_left3A_228 = arith.constant 3 : i32
      %shift_left3A_229 = vector.broadcast %shift_left3A_228 : i32 to vector<16xi32>
      %shift_left3A_230 = arith.shli %and3A_227, %shift_left3A_229 : vector<16xi32>
      %shift_left3A_231 = arith.shli %broadcast_in_dim3A_8, %shift_left3A_230 : vector<16xi32>
      %add3A_232 = vector.broadcast %mul3A_68 : i32 to vector<16xi32>
      %add3A_233 = arith.addi %shift_right_logical3A_226, %add3A_232 : vector<16xi32>
      tpu.vector_store_idx %arg6[%add3A_233], %shift_left3A_231 masked %ge3A_12 {add = true} : memref<16384xi32, #tpu.memory_space<vmem>>[vector<16xi32>], vector<16xi32>, vector<16xi1>
      %mul3A_234 = arith.constant 2 : i32
      %mul3A_235 = arith.muli %scan3A_59, %mul3A_234 : i32
      %add3A_236 = arith.constant 1 : i32
      %add3A_237 = arith.addi %mul3A_235, %add3A_236 : i32
      %add3A_238 = arith.constant 64 : i32
      %add3A_239 = arith.addi %add3A_238, %add3A_237 : i32
      %mul3A_240 = arith.constant 256 : i32
      %mul3A_241 = arith.muli %add3A_237, %mul3A_240 : i32
      %get3A_242 = arith.index_cast %add3A_239 : i32 to index
      %get3A_243 = arith.constant 0 : index
      %get3A_244 = tpu.vector_load %arg4[%get3A_242, %get3A_243] {strides = array<i32>} : memref<128x200xi32, #tpu.memory_space<vmem>>, vector<16xi32>,
      %shift_right_logical3A_245 = arith.constant 2 : i32
      %shift_right_logical3A_246 = vector.broadcast %shift_right_logical3A_245 : i32 to vector<16xi32>
      %shift_right_logical3A_247 = arith.shrui %get3A_244, %shift_right_logical3A_246 : vector<16xi32>
      %and3A_248 = arith.andi %get3A_244, %broadcast_in_dim3A_10 : vector<16xi32>
      %shift_left3A_249 = arith.constant 3 : i32
      %shift_left3A_250 = vector.broadcast %shift_left3A_249 : i32 to vector<16xi32>
      %shift_left3A_251 = arith.shli %and3A_248, %shift_left3A_250 : vector<16xi32>
      %shift_left3A_252 = arith.shli %broadcast_in_dim3A_8, %shift_left3A_251 : vector<16xi32>
      %add3A_253 = vector.broadcast %mul3A_241 : i32 to vector<16xi32>
      %add3A_254 = arith.addi %shift_right_logical3A_247, %add3A_253 : vector<16xi32>
      tpu.vector_store_idx %arg6[%add3A_254], %shift_left3A_252 {add = true} : memref<16384xi32, #tpu.memory_space<vmem>>[vector<16xi32>], vector<16xi32>,
      %get3A_255 = arith.index_cast %add3A_239 : i32 to index
      %get3A_256 = arith.constant 16 : index
      %get3A_257 = tpu.vector_load %arg4[%get3A_255, %get3A_256] {strides = array<i32>} : memref<128x200xi32, #tpu.memory_space<vmem>>, vector<16xi32>,
      %shift_right_logical3A_258 = arith.constant 2 : i32
      %shift_right_logical3A_259 = vector.broadcast %shift_right_logical3A_258 : i32 to vector<16xi32>
      %shift_right_logical3A_260 = arith.shrui %get3A_257, %shift_right_logical3A_259 : vector<16xi32>
      %and3A_261 = arith.andi %get3A_257, %broadcast_in_dim3A_10 : vector<16xi32>
      %shift_left3A_262 = arith.constant 3 : i32
      %shift_left3A_263 = vector.broadcast %shift_left3A_262 : i32 to vector<16xi32>
      %shift_left3A_264 = arith.shli %and3A_261, %shift_left3A_263 : vector<16xi32>
      %shift_left3A_265 = arith.shli %broadcast_in_dim3A_8, %shift_left3A_264 : vector<16xi32>
      %add3A_266 = vector.broadcast %mul3A_241 : i32 to vector<16xi32>
      %add3A_267 = arith.addi %shift_right_logical3A_260, %add3A_266 : vector<16xi32>
      tpu.vector_store_idx %arg6[%add3A_267], %shift_left3A_265 {add = true} : memref<16384xi32, #tpu.memory_space<vmem>>[vector<16xi32>], vector<16xi32>,
      %get3A_268 = arith.index_cast %add3A_239 : i32 to index
      %get3A_269 = arith.constant 32 : index
      %get3A_270 = tpu.vector_load %arg4[%get3A_268, %get3A_269] {strides = array<i32>} : memref<128x200xi32, #tpu.memory_space<vmem>>, vector<16xi32>,
      %shift_right_logical3A_271 = arith.constant 2 : i32
      %shift_right_logical3A_272 = vector.broadcast %shift_right_logical3A_271 : i32 to vector<16xi32>
      %shift_right_logical3A_273 = arith.shrui %get3A_270, %shift_right_logical3A_272 : vector<16xi32>
      %and3A_274 = arith.andi %get3A_270, %broadcast_in_dim3A_10 : vector<16xi32>
      %shift_left3A_275 = arith.constant 3 : i32
      %shift_left3A_276 = vector.broadcast %shift_left3A_275 : i32 to vector<16xi32>
      %shift_left3A_277 = arith.shli %and3A_274, %shift_left3A_276 : vector<16xi32>
      %shift_left3A_278 = arith.shli %broadcast_in_dim3A_8, %shift_left3A_277 : vector<16xi32>
      %add3A_279 = vector.broadcast %mul3A_241 : i32 to vector<16xi32>
      %add3A_280 = arith.addi %shift_right_logical3A_273, %add3A_279 : vector<16xi32>
      tpu.vector_store_idx %arg6[%add3A_280], %shift_left3A_278 {add = true} : memref<16384xi32, #tpu.memory_space<vmem>>[vector<16xi32>], vector<16xi32>,
      %get3A_281 = arith.index_cast %add3A_239 : i32 to index
      %get3A_282 = arith.constant 48 : index
      %get3A_283 = tpu.vector_load %arg4[%get3A_281, %get3A_282] {strides = array<i32>} : memref<128x200xi32, #tpu.memory_space<vmem>>, vector<16xi32>,
      %shift_right_logical3A_284 = arith.constant 2 : i32
      %shift_right_logical3A_285 = vector.broadcast %shift_right_logical3A_284 : i32 to vector<16xi32>
      %shift_right_logical3A_286 = arith.shrui %get3A_283, %shift_right_logical3A_285 : vector<16xi32>
      %and3A_287 = arith.andi %get3A_283, %broadcast_in_dim3A_10 : vector<16xi32>
      %shift_left3A_288 = arith.constant 3 : i32
      %shift_left3A_289 = vector.broadcast %shift_left3A_288 : i32 to vector<16xi32>
      %shift_left3A_290 = arith.shli %and3A_287, %shift_left3A_289 : vector<16xi32>
      %shift_left3A_291 = arith.shli %broadcast_in_dim3A_8, %shift_left3A_290 : vector<16xi32>
      %add3A_292 = vector.broadcast %mul3A_241 : i32 to vector<16xi32>
      %add3A_293 = arith.addi %shift_right_logical3A_286, %add3A_292 : vector<16xi32>
      tpu.vector_store_idx %arg6[%add3A_293], %shift_left3A_291 {add = true} : memref<16384xi32, #tpu.memory_space<vmem>>[vector<16xi32>], vector<16xi32>,
      %get3A_294 = arith.index_cast %add3A_239 : i32 to index
      %get3A_295 = arith.constant 64 : index
      %get3A_296 = tpu.vector_load %arg4[%get3A_294, %get3A_295] {strides = array<i32>} : memref<128x200xi32, #tpu.memory_space<vmem>>, vector<16xi32>,
      %shift_right_logical3A_297 = arith.constant 2 : i32
      %shift_right_logical3A_298 = vector.broadcast %shift_right_logical3A_297 : i32 to vector<16xi32>
      %shift_right_logical3A_299 = arith.shrui %get3A_296, %shift_right_logical3A_298 : vector<16xi32>
      %and3A_300 = arith.andi %get3A_296, %broadcast_in_dim3A_10 : vector<16xi32>
      %shift_left3A_301 = arith.constant 3 : i32
      %shift_left3A_302 = vector.broadcast %shift_left3A_301 : i32 to vector<16xi32>
      %shift_left3A_303 = arith.shli %and3A_300, %shift_left3A_302 : vector<16xi32>
      %shift_left3A_304 = arith.shli %broadcast_in_dim3A_8, %shift_left3A_303 : vector<16xi32>
      %add3A_305 = vector.broadcast %mul3A_241 : i32 to vector<16xi32>
      %add3A_306 = arith.addi %shift_right_logical3A_299, %add3A_305 : vector<16xi32>
      tpu.vector_store_idx %arg6[%add3A_306], %shift_left3A_304 {add = true} : memref<16384xi32, #tpu.memory_space<vmem>>[vector<16xi32>], vector<16xi32>,
      %get3A_307 = arith.index_cast %add3A_239 : i32 to index
      %get3A_308 = arith.constant 80 : index
      %get3A_309 = tpu.vector_load %arg4[%get3A_307, %get3A_308] {strides = array<i32>} : memref<128x200xi32, #tpu.memory_space<vmem>>, vector<16xi32>,
      %shift_right_logical3A_310 = arith.constant 2 : i32
      %shift_right_logical3A_311 = vector.broadcast %shift_right_logical3A_310 : i32 to vector<16xi32>
      %shift_right_logical3A_312 = arith.shrui %get3A_309, %shift_right_logical3A_311 : vector<16xi32>
      %and3A_313 = arith.andi %get3A_309, %broadcast_in_dim3A_10 : vector<16xi32>
      %shift_left3A_314 = arith.constant 3 : i32
      %shift_left3A_315 = vector.broadcast %shift_left3A_314 : i32 to vector<16xi32>
      %shift_left3A_316 = arith.shli %and3A_313, %shift_left3A_315 : vector<16xi32>
      %shift_left3A_317 = arith.shli %broadcast_in_dim3A_8, %shift_left3A_316 : vector<16xi32>
      %add3A_318 = vector.broadcast %mul3A_241 : i32 to vector<16xi32>
      %add3A_319 = arith.addi %shift_right_logical3A_312, %add3A_318 : vector<16xi32>
      tpu.vector_store_idx %arg6[%add3A_319], %shift_left3A_317 {add = true} : memref<16384xi32, #tpu.memory_space<vmem>>[vector<16xi32>], vector<16xi32>,
      %get3A_320 = arith.index_cast %add3A_239 : i32 to index
      %get3A_321 = arith.constant 96 : index
      %get3A_322 = tpu.vector_load %arg4[%get3A_320, %get3A_321] {strides = array<i32>} : memref<128x200xi32, #tpu.memory_space<vmem>>, vector<16xi32>,
      %shift_right_logical3A_323 = arith.constant 2 : i32
      %shift_right_logical3A_324 = vector.broadcast %shift_right_logical3A_323 : i32 to vector<16xi32>
      %shift_right_logical3A_325 = arith.shrui %get3A_322, %shift_right_logical3A_324 : vector<16xi32>
      %and3A_326 = arith.andi %get3A_322, %broadcast_in_dim3A_10 : vector<16xi32>
      %shift_left3A_327 = arith.constant 3 : i32
      %shift_left3A_328 = vector.broadcast %shift_left3A_327 : i32 to vector<16xi32>
      %shift_left3A_329 = arith.shli %and3A_326, %shift_left3A_328 : vector<16xi32>
      %shift_left3A_330 = arith.shli %broadcast_in_dim3A_8, %shift_left3A_329 : vector<16xi32>
      %add3A_331 = vector.broadcast %mul3A_241 : i32 to vector<16xi32>
      %add3A_332 = arith.addi %shift_right_logical3A_325, %add3A_331 : vector<16xi32>
      tpu.vector_store_idx %arg6[%add3A_332], %shift_left3A_330 {add = true} : memref<16384xi32, #tpu.memory_space<vmem>>[vector<16xi32>], vector<16xi32>,
      %get3A_333 = arith.index_cast %add3A_239 : i32 to index
      %get3A_334 = arith.constant 112 : index
      %get3A_335 = tpu.vector_load %arg4[%get3A_333, %get3A_334] {strides = array<i32>} : memref<128x200xi32, #tpu.memory_space<vmem>>, vector<16xi32>,
      %shift_right_logical3A_336 = arith.constant 2 : i32
      %shift_right_logical3A_337 = vector.broadcast %shift_right_logical3A_336 : i32 to vector<16xi32>
      %shift_right_logical3A_338 = arith.shrui %get3A_335, %shift_right_logical3A_337 : vector<16xi32>
      %and3A_339 = arith.andi %get3A_335, %broadcast_in_dim3A_10 : vector<16xi32>
      %shift_left3A_340 = arith.constant 3 : i32
      %shift_left3A_341 = vector.broadcast %shift_left3A_340 : i32 to vector<16xi32>
      %shift_left3A_342 = arith.shli %and3A_339, %shift_left3A_341 : vector<16xi32>
      %shift_left3A_343 = arith.shli %broadcast_in_dim3A_8, %shift_left3A_342 : vector<16xi32>
      %add3A_344 = vector.broadcast %mul3A_241 : i32 to vector<16xi32>
      %add3A_345 = arith.addi %shift_right_logical3A_338, %add3A_344 : vector<16xi32>
      tpu.vector_store_idx %arg6[%add3A_345], %shift_left3A_343 {add = true} : memref<16384xi32, #tpu.memory_space<vmem>>[vector<16xi32>], vector<16xi32>,
      %get3A_346 = arith.index_cast %add3A_239 : i32 to index
      %get3A_347 = arith.constant 128 : index
      %get3A_348 = tpu.vector_load %arg4[%get3A_346, %get3A_347] {strides = array<i32>} : memref<128x200xi32, #tpu.memory_space<vmem>>, vector<16xi32>,
      %shift_right_logical3A_349 = arith.constant 2 : i32
      %shift_right_logical3A_350 = vector.broadcast %shift_right_logical3A_349 : i32 to vector<16xi32>
      %shift_right_logical3A_351 = arith.shrui %get3A_348, %shift_right_logical3A_350 : vector<16xi32>
      %and3A_352 = arith.andi %get3A_348, %broadcast_in_dim3A_10 : vector<16xi32>
      %shift_left3A_353 = arith.constant 3 : i32
      %shift_left3A_354 = vector.broadcast %shift_left3A_353 : i32 to vector<16xi32>
      %shift_left3A_355 = arith.shli %and3A_352, %shift_left3A_354 : vector<16xi32>
      %shift_left3A_356 = arith.shli %broadcast_in_dim3A_8, %shift_left3A_355 : vector<16xi32>
      %add3A_357 = vector.broadcast %mul3A_241 : i32 to vector<16xi32>
      %add3A_358 = arith.addi %shift_right_logical3A_351, %add3A_357 : vector<16xi32>
      tpu.vector_store_idx %arg6[%add3A_358], %shift_left3A_356 {add = true} : memref<16384xi32, #tpu.memory_space<vmem>>[vector<16xi32>], vector<16xi32>,
      %get3A_359 = arith.index_cast %add3A_239 : i32 to index
      %get3A_360 = arith.constant 144 : index
      %get3A_361 = tpu.vector_load %arg4[%get3A_359, %get3A_360] {strides = array<i32>} : memref<128x200xi32, #tpu.memory_space<vmem>>, vector<16xi32>,
      %shift_right_logical3A_362 = arith.constant 2 : i32
      %shift_right_logical3A_363 = vector.broadcast %shift_right_logical3A_362 : i32 to vector<16xi32>
      %shift_right_logical3A_364 = arith.shrui %get3A_361, %shift_right_logical3A_363 : vector<16xi32>
      %and3A_365 = arith.andi %get3A_361, %broadcast_in_dim3A_10 : vector<16xi32>
      %shift_left3A_366 = arith.constant 3 : i32
      %shift_left3A_367 = vector.broadcast %shift_left3A_366 : i32 to vector<16xi32>
      %shift_left3A_368 = arith.shli %and3A_365, %shift_left3A_367 : vector<16xi32>
      %shift_left3A_369 = arith.shli %broadcast_in_dim3A_8, %shift_left3A_368 : vector<16xi32>
      %add3A_370 = vector.broadcast %mul3A_241 : i32 to vector<16xi32>
      %add3A_371 = arith.addi %shift_right_logical3A_364, %add3A_370 : vector<16xi32>
      tpu.vector_store_idx %arg6[%add3A_371], %shift_left3A_369 {add = true} : memref<16384xi32, #tpu.memory_space<vmem>>[vector<16xi32>], vector<16xi32>,
      %get3A_372 = arith.index_cast %add3A_239 : i32 to index
      %get3A_373 = arith.constant 160 : index
      %get3A_374 = tpu.vector_load %arg4[%get3A_372, %get3A_373] {strides = array<i32>} : memref<128x200xi32, #tpu.memory_space<vmem>>, vector<16xi32>,
      %shift_right_logical3A_375 = arith.constant 2 : i32
      %shift_right_logical3A_376 = vector.broadcast %shift_right_logical3A_375 : i32 to vector<16xi32>
      %shift_right_logical3A_377 = arith.shrui %get3A_374, %shift_right_logical3A_376 : vector<16xi32>
      %and3A_378 = arith.andi %get3A_374, %broadcast_in_dim3A_10 : vector<16xi32>
      %shift_left3A_379 = arith.constant 3 : i32
      %shift_left3A_380 = vector.broadcast %shift_left3A_379 : i32 to vector<16xi32>
      %shift_left3A_381 = arith.shli %and3A_378, %shift_left3A_380 : vector<16xi32>
      %shift_left3A_382 = arith.shli %broadcast_in_dim3A_8, %shift_left3A_381 : vector<16xi32>
      %add3A_383 = vector.broadcast %mul3A_241 : i32 to vector<16xi32>
      %add3A_384 = arith.addi %shift_right_logical3A_377, %add3A_383 : vector<16xi32>
      tpu.vector_store_idx %arg6[%add3A_384], %shift_left3A_382 {add = true} : memref<16384xi32, #tpu.memory_space<vmem>>[vector<16xi32>], vector<16xi32>,
      %get3A_385 = arith.index_cast %add3A_239 : i32 to index
      %get3A_386 = arith.constant 176 : index
      %get3A_387 = tpu.vector_load %arg4[%get3A_385, %get3A_386] {strides = array<i32>} : memref<128x200xi32, #tpu.memory_space<vmem>>, vector<16xi32>,
      %shift_right_logical3A_388 = arith.constant 2 : i32
      %shift_right_logical3A_389 = vector.broadcast %shift_right_logical3A_388 : i32 to vector<16xi32>
      %shift_right_logical3A_390 = arith.shrui %get3A_387, %shift_right_logical3A_389 : vector<16xi32>
      %and3A_391 = arith.andi %get3A_387, %broadcast_in_dim3A_10 : vector<16xi32>
      %shift_left3A_392 = arith.constant 3 : i32
      %shift_left3A_393 = vector.broadcast %shift_left3A_392 : i32 to vector<16xi32>
      %shift_left3A_394 = arith.shli %and3A_391, %shift_left3A_393 : vector<16xi32>
      %shift_left3A_395 = arith.shli %broadcast_in_dim3A_8, %shift_left3A_394 : vector<16xi32>
      %add3A_396 = vector.broadcast %mul3A_241 : i32 to vector<16xi32>
      %add3A_397 = arith.addi %shift_right_logical3A_390, %add3A_396 : vector<16xi32>
      tpu.vector_store_idx %arg6[%add3A_397], %shift_left3A_395 {add = true} : memref<16384xi32, #tpu.memory_space<vmem>>[vector<16xi32>], vector<16xi32>,
      %get3A_398 = arith.index_cast %add3A_239 : i32 to index
      %get3A_399 = arith.constant 184 : index
      %get3A_400 = tpu.vector_load %arg4[%get3A_398, %get3A_399] {strides = array<i32>} : memref<128x200xi32, #tpu.memory_space<vmem>>, vector<16xi32>,
      %shift_right_logical3A_401 = arith.constant 2 : i32
      %shift_right_logical3A_402 = vector.broadcast %shift_right_logical3A_401 : i32 to vector<16xi32>
      %shift_right_logical3A_403 = arith.shrui %get3A_400, %shift_right_logical3A_402 : vector<16xi32>
      %and3A_404 = arith.andi %get3A_400, %broadcast_in_dim3A_10 : vector<16xi32>
      %shift_left3A_405 = arith.constant 3 : i32
      %shift_left3A_406 = vector.broadcast %shift_left3A_405 : i32 to vector<16xi32>
      %shift_left3A_407 = arith.shli %and3A_404, %shift_left3A_406 : vector<16xi32>
      %shift_left3A_408 = arith.shli %broadcast_in_dim3A_8, %shift_left3A_407 : vector<16xi32>
      %add3A_409 = vector.broadcast %mul3A_241 : i32 to vector<16xi32>
      %add3A_410 = arith.addi %shift_right_logical3A_403, %add3A_409 : vector<16xi32>
      tpu.vector_store_idx %arg6[%add3A_410], %shift_left3A_408 masked %ge3A_12 {add = true} : memref<16384xi32, #tpu.memory_space<vmem>>[vector<16xi32>], vector<16xi32>, vector<16xi1>
      %scan3A_411 = arith.constant 0 : i32
      scf.yield %scan3A_411 : i32
    }
    %scan3A_48 = arith.constant 32 : i32
    %add3A_49 = arith.constant 64 : i32
    %add3A_50 = arith.addi %mul3A_2, %add3A_49 : i32
    %mul3A_51 = arith.constant 256 : i32
    %mul3A_52 = arith.muli %add3A_50, %mul3A_51 : i32
    %dma_start3A_53 = tpu.memref_slice %arg3[%mul3A_52] : memref<1048576xi32, #tpu.memory_space<hbm>> -> memref<16384xi32, #tpu.memory_space<hbm>>
    %dma_start3A_54 = tpu.memref_slice %arg3[%mul3A_52] : memref<1048576xi32, #tpu.memory_space<hbm>> -> memref<16384xi32, #tpu.memory_space<hbm>>
    tpu.enqueue_dma source(%arg6 : memref<16384xi32, #tpu.memory_space<vmem>>) target(%dma_start3A_54 : memref<16384xi32, #tpu.memory_space<hbm>>) target_semaphore(%arg8 : memref<!tpu.dma_semaphore, #tpu.memory_space<semaphore_mem>>)
    %dma_wait3A_55 = tpu.memref_slice %arg3[%mul3A_32] : memref<1048576xi32, #tpu.memory_space<hbm>> -> memref<16384xi32, #tpu.memory_space<hbm>>
    %dma_wait3A_56 = tpu.memref_slice %arg3[%mul3A_32] : memref<1048576xi32, #tpu.memory_space<hbm>> -> memref<16384xi32, #tpu.memory_space<hbm>>
    tpu.wait_dma2 semaphore(%arg7 : memref<!tpu.dma_semaphore, #tpu.memory_space<semaphore_mem>>) src(%arg5 : memref<16384xi32, #tpu.memory_space<vmem>>) dst(%dma_wait3A_56 : memref<16384xi32, #tpu.memory_space<hbm>>)
    %dma_wait3A_57 = tpu.memref_slice %arg3[%mul3A_52] : memref<1048576xi32, #tpu.memory_space<hbm>> -> memref<16384xi32, #tpu.memory_space<hbm>>
    %dma_wait3A_58 = tpu.memref_slice %arg3[%mul3A_52] : memref<1048576xi32, #tpu.memory_space<hbm>> -> memref<16384xi32, #tpu.memory_space<hbm>>
    tpu.wait_dma2 semaphore(%arg8 : memref<!tpu.dma_semaphore, #tpu.memory_space<semaphore_mem>>) src(%arg6 : memref<16384xi32, #tpu.memory_space<vmem>>) dst(%dma_wait3A_58 : memref<16384xi32, #tpu.memory_space<hbm>>)
    return
  }
}

module attributes {stable_mosaic.version = 14 : i64} {
  func.func @_mm_body(%arg0: i32, %arg1: memref<131072xi32, #tpu.memory_space<vmem>>, %arg2: memref<4x256x64xf32, #tpu.memory_space<vmem>>, %arg3: memref<512x64xf32, #tpu.memory_space<vmem>>) attributes {dimension_semantics = [#tpu.dimension_semantics<arbitrary>], iteration_bounds = array<i64: 8>, scalar_prefetch = 0 : i64, scratch_operands = 0 : i64, tpu.core_type = #tpu.core_type<tc>, window_params = [{transform_indices = @transform_0, window_bounds = array<i64: 131072>}, {pipeline_mode = #tpu.pipeline_mode<synchronous>, transform_indices = @transform_1, window_bounds = array<i64: 4, 256, 64>}, {transform_indices = @transform_2, window_bounds = array<i64: 512, 64>}]} {
    %get3A = arith.constant 0 : index
    %get3A_0 = vector.load %arg1[%get3A] : memref<131072xi32, #tpu.memory_space<vmem>>, vector<131072xi32>
    %reshape3A = vector.shape_cast %get3A_0 : vector<131072xi32> to vector<512x256xi32>
    %broadcast_in_dim3A = arith.constant 0.000000e+00 : f32
    %broadcast_in_dim3A_1 = vector.broadcast %broadcast_in_dim3A : f32 to vector<512x64xf32>
    %shift_right_logical3A = arith.constant 0 : i32
    %shift_right_logical3A_2 = vector.broadcast %shift_right_logical3A : i32 to vector<512x256xi32>
    %shift_right_logical3A_3 = arith.shrui %reshape3A, %shift_right_logical3A_2 : vector<512x256xi32>
    %and3A = arith.constant 255 : i32
    %and3A_4 = vector.broadcast %and3A : i32 to vector<512x256xi32>
    %and3A_5 = arith.andi %shift_right_logical3A_3, %and3A_4 : vector<512x256xi32>
    %convert_element_type3A = arith.sitofp %and3A_5 : vector<512x256xi32> to vector<512x256xf32>
    %get3A_6 = arith.constant 0 : index
    %get3A_7 = arith.constant 0 : index
    %get3A_8 = arith.constant 0 : index
    %get3A_9 = vector.load %arg2[%get3A_6, %get3A_7, %get3A_8] : memref<4x256x64xf32, #tpu.memory_space<vmem>>, vector<1x256x64xf32>
    %get3A_10 = vector.shape_cast %get3A_9 : vector<1x256x64xf32> to vector<256x64xf32>
    %dot_general3A = arith.constant dense<0.000000e+00> : vector<512x64xf32>
    %dot_general3A_11 = tpu.matmul %convert_element_type3A, %get3A_10, %dot_general3A {dimension_numbers = #tpu.dot_dimension_numbers<[1], [0], [0], [1], [0, 0, 1, 1], [], []>, transpose_lhs_hint = false} : vector<512x256xf32>, vector<256x64xf32>, vector<512x64xf32> -> vector<512x64xf32>
    %add3A = arith.addf %broadcast_in_dim3A_1, %dot_general3A_11 : vector<512x64xf32>
    %shift_right_logical3A_12 = arith.constant 8 : i32
    %shift_right_logical3A_13 = vector.broadcast %shift_right_logical3A_12 : i32 to vector<512x256xi32>
    %shift_right_logical3A_14 = arith.shrui %reshape3A, %shift_right_logical3A_13 : vector<512x256xi32>
    %and3A_15 = arith.constant 255 : i32
    %and3A_16 = vector.broadcast %and3A_15 : i32 to vector<512x256xi32>
    %and3A_17 = arith.andi %shift_right_logical3A_14, %and3A_16 : vector<512x256xi32>
    %convert_element_type3A_18 = arith.sitofp %and3A_17 : vector<512x256xi32> to vector<512x256xf32>
    %get3A_19 = arith.constant 1 : index
    %get3A_20 = arith.constant 0 : index
    %get3A_21 = arith.constant 0 : index
    %get3A_22 = vector.load %arg2[%get3A_19, %get3A_20, %get3A_21] : memref<4x256x64xf32, #tpu.memory_space<vmem>>, vector<1x256x64xf32>
    %get3A_23 = vector.shape_cast %get3A_22 : vector<1x256x64xf32> to vector<256x64xf32>
    %dot_general3A_24 = arith.constant dense<0.000000e+00> : vector<512x64xf32>
    %dot_general3A_25 = tpu.matmul %convert_element_type3A_18, %get3A_23, %dot_general3A_24 {dimension_numbers = #tpu.dot_dimension_numbers<[1], [0], [0], [1], [0, 0, 1, 1], [], []>, transpose_lhs_hint = false} : vector<512x256xf32>, vector<256x64xf32>, vector<512x64xf32> -> vector<512x64xf32>
    %add3A_26 = arith.addf %add3A, %dot_general3A_25 : vector<512x64xf32>
    %shift_right_logical3A_27 = arith.constant 16 : i32
    %shift_right_logical3A_28 = vector.broadcast %shift_right_logical3A_27 : i32 to vector<512x256xi32>
    %shift_right_logical3A_29 = arith.shrui %reshape3A, %shift_right_logical3A_28 : vector<512x256xi32>
    %and3A_30 = arith.constant 255 : i32
    %and3A_31 = vector.broadcast %and3A_30 : i32 to vector<512x256xi32>
    %and3A_32 = arith.andi %shift_right_logical3A_29, %and3A_31 : vector<512x256xi32>
    %convert_element_type3A_33 = arith.sitofp %and3A_32 : vector<512x256xi32> to vector<512x256xf32>
    %get3A_34 = arith.constant 2 : index
    %get3A_35 = arith.constant 0 : index
    %get3A_36 = arith.constant 0 : index
    %get3A_37 = vector.load %arg2[%get3A_34, %get3A_35, %get3A_36] : memref<4x256x64xf32, #tpu.memory_space<vmem>>, vector<1x256x64xf32>
    %get3A_38 = vector.shape_cast %get3A_37 : vector<1x256x64xf32> to vector<256x64xf32>
    %dot_general3A_39 = arith.constant dense<0.000000e+00> : vector<512x64xf32>
    %dot_general3A_40 = tpu.matmul %convert_element_type3A_33, %get3A_38, %dot_general3A_39 {dimension_numbers = #tpu.dot_dimension_numbers<[1], [0], [0], [1], [0, 0, 1, 1], [], []>, transpose_lhs_hint = false} : vector<512x256xf32>, vector<256x64xf32>, vector<512x64xf32> -> vector<512x64xf32>
    %add3A_41 = arith.addf %add3A_26, %dot_general3A_40 : vector<512x64xf32>
    %shift_right_logical3A_42 = arith.constant 24 : i32
    %shift_right_logical3A_43 = vector.broadcast %shift_right_logical3A_42 : i32 to vector<512x256xi32>
    %shift_right_logical3A_44 = arith.shrui %reshape3A, %shift_right_logical3A_43 : vector<512x256xi32>
    %convert_element_type3A_45 = arith.sitofp %shift_right_logical3A_44 : vector<512x256xi32> to vector<512x256xf32>
    %get3A_46 = arith.constant 3 : index
    %get3A_47 = arith.constant 0 : index
    %get3A_48 = arith.constant 0 : index
    %get3A_49 = vector.load %arg2[%get3A_46, %get3A_47, %get3A_48] : memref<4x256x64xf32, #tpu.memory_space<vmem>>, vector<1x256x64xf32>
    %get3A_50 = vector.shape_cast %get3A_49 : vector<1x256x64xf32> to vector<256x64xf32>
    %dot_general3A_51 = arith.constant dense<0.000000e+00> : vector<512x64xf32>
    %dot_general3A_52 = tpu.matmul %convert_element_type3A_45, %get3A_50, %dot_general3A_51 {dimension_numbers = #tpu.dot_dimension_numbers<[1], [0], [0], [1], [0, 0, 1, 1], [], []>, transpose_lhs_hint = false} : vector<512x256xf32>, vector<256x64xf32>, vector<512x64xf32> -> vector<512x64xf32>
    %add3A_53 = arith.addf %add3A_41, %dot_general3A_52 : vector<512x64xf32>
    %mul3A = arith.constant 5.000000e-03 : f32
    %mul3A_54 = vector.broadcast %mul3A : f32 to vector<512x64xf32>
    %mul3A_55 = arith.mulf %add3A_53, %mul3A_54 : vector<512x64xf32>
    %swap3A = arith.constant 0 : index
    %swap3A_56 = arith.constant 0 : index
    %swap3A_57 = vector.load %arg3[%swap3A, %swap3A_56] : memref<512x64xf32, #tpu.memory_space<vmem>>, vector<512x64xf32>
    tpu.vector_store %arg3[%swap3A, %swap3A_56], %mul3A_55 {strides = array<i32>} : memref<512x64xf32, #tpu.memory_space<vmem>>, vector<512x64xf32>,
    return
  }
  func.func @transform_0(%arg0: i32) -> i32 {
    %c0_i32 = arith.constant 0 : i32
    return %arg0 : i32
  }
  func.func @transform_1(%arg0: i32) -> (i32, i32, i32) {
    %c0_i32 = arith.constant 0 : i32
    %c0_i32_0 = arith.constant 0 : i32
    %c0_i32_1 = arith.constant 0 : i32
    %c0_i32_2 = arith.constant 0 : i32
    return %c0_i32, %c0_i32_0, %c0_i32_1 : i32, i32, i32
  }
  func.func @transform_2(%arg0: i32) -> (i32, i32) {
    %c0_i32 = arith.constant 0 : i32
    %c0_i32_0 = arith.constant 0 : i32
    return %arg0, %c0_i32 : i32, i32
  }
}

</mosaic_0001>

<sc_bundles>
// kernel: kernel.4.cloned.1.call-start
scs
__scs_entry_jumppad:
0x0: {  	(pc) =	sbr.rel $0x88, $3  }
0x1: {  	(tag) =	ssettag $0x0;
	lr =	simm.s32 $0x1  }
0x2: {  	[smem:$0x3F9F] =	sst lr;
	_ =	strace $0xD0000000  }
0x3: {  	_ = 	snop  }
0x4: {  	_ = 	snop  }
0x5: {  	_ = 	snop  }
0x6: {  	_ = 	snop  }
0x7: {  	_ = 	snop  }
__scs_overlays_trampoline_lowered:
0x8: {  	[smem:$0x3FAE] =	sst s0  }
0x9: {  	[smem:$0x3FAF] =	sst s1  }
0xa: {  	[smem:$0x3FB0] =	sst s2  }
0xb: {  	[smem:$0x3FB1] =	sst s3  }
0xc: {  	[smem:$0x3FB2] =	sst s4  }
0xd: {  	[smem:$0x3FB3] =	sst s5  }
0xe: {  	[smem:$0x3FB4] =	sst s6  }
0xf: {  	[smem:$0x3FB5] =	sst s7  }
0x10: {  	[smem:$0x3FB6] =	sst s8  }
0x11: {  	[smem:$0x3FB7] =	sst s9;
	s0 =	simm.s32 @!p0 $0x0  }
0x12: {  	s1 =	sld [smem:$0x3F9D];
	s0 =	simm.s32 @p0 $0x1  }
0x13: {  	[smem:$0x3FB8] =	sst s0;
	s0 =	simm.s32 @!p1 $0x0  }
0x14: {  	s2 =	sld [smem:$0x3F9C];
	s0 =	simm.s32 @p1 $0x1  }
0x15: {  	[smem:$0x3FB9] =	sst s0;
	s0 =	simm.s32 @!p2 $0x0  }
0x16: {  	s3 =	sld [smem:$0x3FDB];
	s0 =	simm.s32 @p2 $0x1  }
0x17: {  	s4 =	simm.s32 $0x1BF5;
	[smem:$0x3FBB] =	sst s0  }
0x18: {  	s0 =	sld [smem:$0x3F9E];
	_ =	swait.ge [sflag:s4], $0x0  }
0x19: {  	s7 =	sld [smem:$0x3F9F]  }
0x1a: {  	s8 =	sadd.s32 $0xFFFFE003, lr  }
0x1b: {  	s9 =	sadd.s32 $0xFFFFFEF7, lr;
	s5 =	simm.s32 $0xFFFFFFFF;
	p2 =	slt.u32 s8, $0xFFFFF086  }
0x1c: {  	p1 =	slt.u32 s9, $0xF7A;
	s5 =	simm.s32 @!p2 $0x0  }
0x1d: {  	s5 =	simm.s32 @p1 $0x1;
	p0 =	seq.s32 s7, s2  }
0x1e: {  	s7 =	smul.u32 @!p0 $0xF7A, s2;
	p2 =	seq.s32 @!p0 s5, $0x0  }
0x1f: {  	s9 =	smul.u32 $0xF7A, s1;
	s8 =	simm.s32 @!p0 $0x1BF5;
	p2 =	por !p2, p0  }
0x20: {  	[sflag:s8] =	ssyncset.s32 @!p0 $0xFFFFF086;
	s6 =	sadd.s32 @!p0 s3, s7;
	s7 =	simm.s32 @!p0 $0x108  }
0x21: {  	s3 =	sadd.s32 s3, s9;
	s6 =	sadd.s32 @!p0 $0x88, s6;
	s7 =	simm.s32 @p2 $0x1082  }
0x22: {  	[simem:s7], [sflag:s8] =	dma.local @!p0 [hbm:s6], $0xF7A  }
0x23: {  	s9 =	sor.u32 $0xD0000000, s2;
	s6 =	simm.s32 $0x108;
	_ =	swait.ge @!p0 [sflag:s8], $0x0  }
0x24: {  	s3 =	sadd.s32 $0x88, s3;
	s6 =	simm.s32 @!p1 $0x1082;
	[sflag:s4] =	ssyncset.s32 $0xFFFFF086  }
0x25: {  	[simem:s6], [sflag:s4] =	dma.local [hbm:s3], $0xF7A  }
0x26: {  	[smem:$0x3F9F] =	sst s1;
	(tag) =	ssettag s2;
	_ =	strace s9  }
0x27: {  	s1 =	sld [smem:$0x3FAF]  }
0x28: {  	s2 =	sld [smem:$0x3FB0]  }
0x29: {  	s4 =	sld [smem:$0x3FB2]  }
0x2a: {  	p0 =	seq.s32 s5, $0x0;
	s5 =	sld [smem:$0x3FB3]  }
0x2b: {  	s6 =	sld [smem:$0x3FB4]  }
0x2c: {  	s7 =	sld [smem:$0x3FB5]  }
0x2d: {  	s3 =	simm.s32 $0x108;
	s8 =	sld [smem:$0x3FB6]  }
0x2e: {  	s3 =	simm.s32 @!p0 $0x1082;
	s9 =	sld [smem:$0x3FB7]  }
0x2f: {  	lr =	sadd.s32 s0, s3;
	s0 =	sld [smem:$0x3FAE]  }
0x30: {  	s3 =	sld [smem:$0x3FB1]  }
0x31: {  	[smem:$0x3FBA] =	sst s10  }
0x32: {  	s10 =	sld [smem:$0x3FB8];
	_ =	sdelay $0x3  }
0x33: {  	p0 =	seq.s32 s10, $0x1;
	s10 =	sld [smem:$0x3FBA];
	_ =	sdelay $0x3  }
0x34: {  	[smem:$0x3FBA] =	sst s10  }
0x35: {  	s10 =	sld [smem:$0x3FB9];
	_ =	sdelay $0x3  }
0x36: {  	p1 =	seq.s32 s10, $0x1;
	s10 =	sld [smem:$0x3FBA];
	_ =	sdelay $0x3  }
0x37: {  	[smem:$0x3FBA] =	sst s10  }
0x38: {  	s10 =	sld [smem:$0x3FBB]  }
0x39: {  	_ = 	snop;
	(pc) =	sbr.ind lr, $3  }
0x3a: {  	_ = 	snop  }
0x3b: {  	_ = 	snop  }
0x3c: {  	p2 =	seq.s32 s10, $0x1;
	s10 =	sld [smem:$0x3FBA]  }
0x3d: {  	_ =	shalt  }
0x3e: {  	_ =	shalt  }
0x3f: {  	_ =	shalt  }
0x40: {  	_ =	shalt  }
0x41: {  	_ =	shalt  }
0x42: {  	_ =	shalt  }
0x43: {  	_ =	shalt  }
0x44: {  	_ =	shalt  }
0x45: {  	_ =	shalt  }
0x46: {  	_ =	shalt  }
0x47: {  	_ =	shalt  }
0x48: {  	_ =	shalt  }
0x49: {  	_ =	shalt  }
0x4a: {  	_ =	shalt  }
0x4b: {  	_ =	shalt  }
0x4c: {  	_ =	shalt  }
0x4d: {  	_ =	shalt  }
0x4e: {  	_ =	shalt  }
0x4f: {  	_ =	shalt  }
0x50: {  	_ =	shalt  }
0x51: {  	_ =	shalt  }
0x52: {  	_ =	shalt  }
0x53: {  	_ =	shalt  }
0x54: {  	_ =	shalt  }
0x55: {  	_ =	shalt  }
0x56: {  	_ =	shalt  }
0x57: {  	_ =	shalt  }
0x58: {  	_ =	shalt  }
0x59: {  	_ =	shalt  }
0x5a: {  	_ =	shalt  }
0x5b: {  	_ =	shalt  }
0x5c: {  	_ =	shalt  }
0x5d: {  	_ =	shalt  }
0x5e: {  	_ =	shalt  }
0x5f: {  	_ =	shalt  }
0x60: {  	_ =	shalt  }
0x61: {  	_ =	shalt  }
0x62: {  	_ =	shalt  }
0x63: {  	_ =	shalt  }
0x64: {  	_ =	shalt  }
0x65: {  	_ =	shalt  }
0x66: {  	_ =	shalt  }
0x67: {  	_ =	shalt  }
0x68: {  	_ =	shalt  }
0x69: {  	_ =	shalt  }
0x6a: {  	_ =	shalt  }
0x6b: {  	_ =	shalt  }
0x6c: {  	_ =	shalt  }
0x6d: {  	_ =	shalt  }
0x6e: {  	_ =	shalt  }
0x6f: {  	_ =	shalt  }
0x70: {  	_ =	shalt  }
0x71: {  	_ =	shalt  }
0x72: {  	_ =	shalt  }
0x73: {  	_ =	shalt  }
0x74: {  	_ =	shalt  }
0x75: {  	_ =	shalt  }
0x76: {  	_ =	shalt  }
0x77: {  	_ =	shalt  }
0x78: {  	_ =	shalt  }
0x79: {  	_ =	shalt  }
0x7a: {  	_ =	shalt  }
0x7b: {  	_ =	shalt  }
0x7c: {  	_ =	shalt  }
0x7d: {  	_ =	shalt  }
0x7e: {  	_ =	shalt  }
0x7f: {  	_ =	shalt  }
0x80: {  	_ =	shalt  }
0x81: {  	_ =	shalt  }
0x82: {  	_ =	shalt  }
0x83: {  	_ =	shalt  }
0x84: {  	_ =	shalt  }
0x85: {  	_ =	shalt  }
0x86: {  	_ =	shalt  }
0x87: {  	_ =	shalt  }
.Lfunc_end0:
.L_simem_size_0:
called_computation_lowered:
.L_overlay_start_0:
0x88: {  	s2 =	sld [smem:$0x3FD9]  }
0x89: {  	s3 =	sld [smem:$0x3FFE];
	_ =	sdelay $0x1  }
0x8a: {  	s1 =	srdreg.scid  }
0x8b: {  	s0 =	sand.u32 $0x1, s1  }
0x8c: {  	s16 =	sshll.u32 s0, $0xA;
	s2 =	sadd.s32 s3, s2  }
0x8d: {  	s2 =	sadd.s32 s2, s16  }
0x8e: {  	[smem:$0x3FC6] =	sst s2  }
0x8f: {  	_ = 	snop  }
0x90: {  	(tm) =	ssettm $0x1  }
0x91: {  	s17 =	sld [smem:$0x3FFB];
	_ =	sdelay $0x3  }
0x92: {  	_ =	strace s17  }
0x93: {  	s2 =	sld [smem:$0x3FFC];
	_ =	sdelay $0x3  }
0x94: {  	_ =	strace s2  }
0x95: {  	s2 =	sld [smem:$0x3FFD];
	_ =	sdelay $0x3  }
0x96: {  	_ =	strace s2  }
0x97: {  	_ =	strace $0x8FFFFFFF  }
0x98: {  	s18 =	sld [smem:$0x3FDB];
	_ =	sdelay $0x1  }
0x99: {  	s19 =	simm.s32 $_scs_section_size  }
0x9a: {  	s4 =	simm.s32 $_size__tile_overlayer_lowered;
	s5 =	simm.s32 $_tile_overlayer_lowered  }
0x9b: {  	s22 =	simm.s32 $0x1BFF;
	s21 =	sshll.u32 s5, $0x1;
	s2 =	sadd.s32 s19, s18  }
0x9c: {  	s6 =	simm.s32 $0x0;
	s20 =	sshll.u32 s4, $0x1;
	s4 =	sadd.s32 s21, s2  }
0x9d: {  	[timem:s6], [sflag:s22] =	dma.local [hbm:s4], s20  }
0x9e: {  	_ =	swait.ge [sflag:s22], s20  }
0x9f: {  	s3 =	ssub.s32 $0x0, s20;
	[sflag:s22] =	ssyncset.done $0x0  }
0xa0: {  	[sflag:s22] =	ssyncadd.s32 s3;
	_ =	sdelay $0x1  }
0xa1: {  	s23 =	simm.s32 $0x1B8B  }
0xa2: {  	_ =	swait.ge [sflag:s23], $0x1  }
0xa3: {  	[sflag:s23] =	ssyncset.done $0x0  }
0xa4: {  	s25 =	simm.s32 $0x1B8E;
	s24 =	sld [smem:$0x3FFE];
	[sflag:s23] =	ssyncadd.s32 $0xFFFFFFFF  }
0xa5: {  	s26 =	simm.s32 $execute0_lowered;
	[smem:$0x3FD2] =	sst s25  }
0xa6: {  	s4 =	sshll.u32 s26, $0x1;
	_ =	strace $0x80000046;
	[dreg:$0x1] =	wrdreg $0xFFFFFFFF  }
0xa7: {  	s28 =	simm.s32 $_size_execute0_lowered;
	s2 =	sadd.s32 s2, s4;
	[dreg:$0x0] =	wrdreg $0x0  }
0xa8: {  	s4 =	sshll.u32 s28, $0x1;
	[dreg:$0x2] =	wrdreg s2  }
0xa9: {  	[dreg:$0x3] =	wrdreg s4  }
0xaa: {  	[dreg:$0x4] =	wrdreg $0xC0  }
0xab: {  	_ =	task [dreg:s6], $0x5FFFF  }
0xac: {  	[dreg:$0x1] =	wrdreg $0xFFFFFFFF  }
0xad: {  	[dreg:$0x0] =	wrdreg $0x60  }
0xae: {  	[dreg:$0x2] =	wrdreg s24  }
0xaf: {  	[dreg:$0x3] =	wrdreg $0x9  }
0xb0: {  	_ =	task.clear_ibuf [dreg:s6], $0x4FFFF;
	_ =	strace $0x90000046  }
0xb1: {  	s29 =	simm.s32 $0x9;
	_ =	strace $0x80000048  }
0xb2: {  	_ =	swait.ge [sflag:s29], $0x1  }
0xb3: {  	[sflag:s29] =	ssyncadd.s32 $0xFFFFFFFF  }
0xb4: {  	_ =	strace $0x90000048  }
0xb5: {  	_ =	sfence  }
0xb6: {  	s30 =	sld [smem:$0x0];
	_ =	sdelay $0x2  }
0xb7: {  	s31 =	sshll.u32 s1, $0xD;
	s1 =	sshrl.u32 s1, $0x2  }
0xb8: {  	s3 =	sand.u32 $0x4000, s31;
	s1 =	sadd.s32 s1, s30  }
0xb9: {  	s0 =	sor.u32 s3, s0;
	s1 =	sshll.u32 s1, $0x11  }
0xba: {  	s0 =	sor.u32 s1, s0  }
0xbb: {  	s0 =	sadd.s32 $0x8F2B, s0  }
0xbc: {  	[sflag:s0] =	ssyncadd.remote.s32 $0x1  }
0xbd: {  	_ =	sfence.sel $0xFFFF  }
0xbe: {  	[dreg:$0x0] =	wrdreg $0xFFFFFFFF;
	(pc) =	sbr.abs _section_cstart, $3  }
0xbf: {  	[dreg:$0x1] =	wrdreg $0xFFFFFFFF  }
0xc0: {  	_ =	task.clear_ibuf [dreg:s6], $0x2FFFF;
	_ =	strace $0x9FFFFFFF  }
0xc1: {  	(tm) =	ssettm $0x7FFFFFFF  }
tec
execute0_lowered:
.L_overlay_start_1:
0x0: {  	(tag) =	ssettag $0x1  }
0x1: {  	s0 =	srdreg.scid  }
0x2: {  	s3 =	rddreg [dreg:$0x0];
	s1 =	stileid.u32;
	s2 =	simm.s32 $0x0  }
0x3: {  	s7 =	simm.s32 $0x3;
	s8 =	simm.s32 $0x8000;
	s9 =	simm.s32 $0xC000  }
0x4: {  	s10 =	simm.s32 $0x1;
	s11 =	simm.s32 $0x2;
	s4 =	sand.u32 $0x1, s0  }
0x5: {  	s12 =	simm.s32 $0x0;
	s5 =	sshll.u32 s1, $0xD;
	s6 =	sshll.u32 s4, $0xC  }
0x6: {  	s0 =	rddreg [dreg:$0x1];
	s4 =	ssub.s32 $0x2, s4;
	s5 =	sor.u32 s6, s5  }
0x7: {  	[smem:$0x7FF] =	sst s2;
	s30 =	sshrl.u32 s4, $0x1;
	s5 =	sadd.s32 s5, s3  }
0x8: {  	_ =	strace $0x80000047;
	s31 =	ssub.s32 s4, s30;
	s3 =	sadd.s32 $0xC00, s5  }
0x9: {  	v0 =	vimm.s32 $0x0;
	v1 =	vimm.s32 $0x1;
	vm0 =	vcmask $0x3F20;
	s4 =	sadd.s32 $0x20C00, s5;
	s5 =	sadd.s32 $0x21400, s5;
	s6 =	smax.u32 s31, $0x1  }
.LBB2_1:
0xa: {  	[tilespmem:s2], [sflag:$0x3] =	stream.linear.gather [hbm4b:s3+s2], $0x8000, $0x38;
	[tilespmem:$0x10000] =	vst v63  }
0xb: {  	s13 =	simm.s32 $0x0;
	s14 =	simm.s32 $0x400  }
.LBB2_2:
0xc: {  	p0 =	sne.s32 s14, $0xFC00;
	[tilespmem:s13+$0x80F0] =	vst v0  }
0xd: {  	[tilespmem:s13+$0x8000] =	vst v0  }
0xe: {  	[tilespmem:s13+$0x8010] =	vst v0  }
0xf: {  	[tilespmem:s13+$0x8020] =	vst v0  }
0x10: {  	[tilespmem:s13+$0x8030] =	vst v0  }
0x11: {  	[tilespmem:s13+$0x8040] =	vst v0  }
0x12: {  	[tilespmem:s13+$0x8050] =	vst v0  }
0x13: {  	[tilespmem:s13+$0x8060] =	vst v0  }
0x14: {  	[tilespmem:s13+$0x8070] =	vst v0  }
0x15: {  	[tilespmem:s13+$0x8080] =	vst v0  }
0x16: {  	[tilespmem:s13+$0x8090] =	vst v0  }
.Ltmp0:
0x17: {  	[tilespmem:s13+$0x80A0] =	vst v0;
	(pc) =	sbr.rel @p0 .LBB2_2-.Ltmp0, $4  }
0x18: {  	[tilespmem:s13+$0x80B0] =	vst v0  }
0x19: {  	[tilespmem:s13+$0x80C0] =	vst v0  }
0x1a: {  	[tilespmem:s13+$0x80D0] =	vst v0  }
0x1b: {  	[tilespmem:s13+$0x80E0] =	vst v0;
	s13 =	sshra.s32 s14, $0x2;
	s14 =	sadd.s32 $0x400, s14  }
0x1c: {  	[tilespmem:s13+$0x80F0] =	vst v0  }
0x1d: {  	[tilespmem:s13+$0x8000] =	vst v0  }
0x1e: {  	[tilespmem:s13+$0x8010] =	vst v0  }
0x1f: {  	[tilespmem:s13+$0x8020] =	vst v0  }
0x20: {  	[tilespmem:s13+$0x8030] =	vst v0  }
0x21: {  	[tilespmem:s13+$0x8040] =	vst v0  }
0x22: {  	[tilespmem:s13+$0x8050] =	vst v0  }
0x23: {  	[tilespmem:s13+$0x8060] =	vst v0  }
0x24: {  	[tilespmem:s13+$0x8070] =	vst v0  }
0x25: {  	[tilespmem:s13+$0x8080] =	vst v0  }
0x26: {  	[tilespmem:s13+$0x8090] =	vst v0  }
0x27: {  	[tilespmem:s13+$0x80A0] =	vst v0  }
0x28: {  	[tilespmem:s13+$0x80B0] =	vst v0  }
0x29: {  	[tilespmem:s13+$0x80C0] =	vst v0  }
0x2a: {  	[tilespmem:s13+$0x80D0] =	vst v0  }
0x2b: {  	[tilespmem:s13+$0x80E0] =	vst v0  }
0x2c: {  	_ =	swait.ge [sflag:s7], $0x8000  }
0x2d: {  	[sflag:s7] =	ssyncset.done $0x0  }
0x2e: {  	s13 =	simm.s32 $0x80;
	s14 =	simm.s32 $0x0;
	[sflag:s7] =	ssyncadd.s32 $0xFFFF8000  }
.LBB2_4:
0x2f: {  	s16 =	sadd.s32 $0xFFFFFF80, s13  }
0x30: {  	s15 =	sand.u32 $0x3800, s14;
	s16 =	sand.u32 $0x300, s16  }
0x31: {  	s16 =	sor.u32 s16, s15  }
0x32: {  	v2 =	vld [tilespmem:s16+$0x0];
	_ =	sdelay $0x4  }
0x33: {  	v3 =	vshrl.u32 v2, $0x2  }
0x34: {  	v3 =	vadd.s32 s14, v3;
	_ =	sdelay $0x1  }
0x35: {  	v2 =	vshll.u32 v2, $0x3  }
0x36: {  	v2 =	vand.u32 $0x18, v2  }
0x37: {  	v2 =	vshll.u32 v1, v2  }
0x38: {  	[tilespmem:v3+s8+$0x0] =	vst.idx.add.s32.msk $0xffff, v2  }
0x39: {  	v2 =	vld [tilespmem:s16+$0x10];
	_ =	sdelay $0x4  }
0x3a: {  	v3 =	vshrl.u32 v2, $0x2  }
0x3b: {  	v3 =	vadd.s32 s14, v3;
	_ =	sdelay $0x1  }
0x3c: {  	v2 =	vshll.u32 v2, $0x3  }
0x3d: {  	v2 =	vand.u32 $0x18, v2  }
0x3e: {  	v2 =	vshll.u32 v1, v2  }
0x3f: {  	[tilespmem:v3+s8+$0x0] =	vst.idx.add.s32.msk $0xffff, v2  }
0x40: {  	v2 =	vld [tilespmem:s16+$0x20];
	_ =	sdelay $0x4  }
0x41: {  	v3 =	vshrl.u32 v2, $0x2  }
0x42: {  	v3 =	vadd.s32 s14, v3;
	_ =	sdelay $0x1  }
0x43: {  	v2 =	vshll.u32 v2, $0x3  }
0x44: {  	v2 =	vand.u32 $0x18, v2  }
0x45: {  	v2 =	vshll.u32 v1, v2  }
0x46: {  	[tilespmem:v3+s8+$0x0] =	vst.idx.add.s32.msk $0xffff, v2  }
0x47: {  	v2 =	vld [tilespmem:s16+$0x30];
	_ =	sdelay $0x4  }
0x48: {  	v3 =	vshrl.u32 v2, $0x2  }
0x49: {  	v3 =	vadd.s32 s14, v3;
	_ =	sdelay $0x1  }
0x4a: {  	v2 =	vshll.u32 v2, $0x3  }
0x4b: {  	v2 =	vand.u32 $0x18, v2  }
0x4c: {  	v2 =	vshll.u32 v1, v2  }
0x4d: {  	[tilespmem:v3+s8+$0x0] =	vst.idx.add.s32.msk $0xffff, v2  }
0x4e: {  	v2 =	vld [tilespmem:s16+$0x40];
	_ =	sdelay $0x4  }
0x4f: {  	v3 =	vshrl.u32 v2, $0x2  }
0x50: {  	v3 =	vadd.s32 s14, v3;
	_ =	sdelay $0x1  }
0x51: {  	v2 =	vshll.u32 v2, $0x3  }
0x52: {  	v2 =	vand.u32 $0x18, v2  }
0x53: {  	v2 =	vshll.u32 v1, v2  }
0x54: {  	[tilespmem:v3+s8+$0x0] =	vst.idx.add.s32.msk $0xffff, v2  }
0x55: {  	v2 =	vld [tilespmem:s16+$0x50];
	_ =	sdelay $0x4  }
0x56: {  	v3 =	vshrl.u32 v2, $0x2  }
0x57: {  	v3 =	vadd.s32 s14, v3;
	_ =	sdelay $0x1  }
0x58: {  	v2 =	vshll.u32 v2, $0x3  }
0x59: {  	v2 =	vand.u32 $0x18, v2  }
0x5a: {  	v2 =	vshll.u32 v1, v2  }
0x5b: {  	[tilespmem:v3+s8+$0x0] =	vst.idx.add.s32.msk $0xffff, v2  }
0x5c: {  	v2 =	vld [tilespmem:s16+$0x60];
	_ =	sdelay $0x4  }
0x5d: {  	v3 =	vshrl.u32 v2, $0x2  }
0x5e: {  	v3 =	vadd.s32 s14, v3;
	_ =	sdelay $0x1  }
0x5f: {  	v2 =	vshll.u32 v2, $0x3  }
0x60: {  	v2 =	vand.u32 $0x18, v2  }
0x61: {  	v2 =	vshll.u32 v1, v2  }
0x62: {  	[tilespmem:v3+s8+$0x0] =	vst.idx.add.s32.msk $0xffff, v2  }
0x63: {  	v2 =	vld [tilespmem:s16+$0x70];
	_ =	sdelay $0x4  }
0x64: {  	v3 =	vshrl.u32 v2, $0x2  }
0x65: {  	v3 =	vadd.s32 s14, v3;
	_ =	sdelay $0x1  }
0x66: {  	v2 =	vshll.u32 v2, $0x3  }
0x67: {  	v2 =	vand.u32 $0x18, v2  }
0x68: {  	v2 =	vshll.u32 v1, v2  }
0x69: {  	[tilespmem:v3+s8+$0x0] =	vst.idx.add.s32.msk $0xffff, v2  }
0x6a: {  	v2 =	vld [tilespmem:s16+$0x400];
	_ =	sdelay $0x4  }
0x6b: {  	v3 =	vshrl.u32 v2, $0x2  }
0x6c: {  	v3 =	vadd.s32 s14, v3;
	_ =	sdelay $0x1  }
0x6d: {  	v2 =	vshll.u32 v2, $0x3  }
0x6e: {  	v2 =	vand.u32 $0x18, v2  }
0x6f: {  	v2 =	vshll.u32 v1, v2  }
0x70: {  	[tilespmem:v3+s8+$0x0] =	vst.idx.add.s32.msk $0xffff, v2  }
0x71: {  	v2 =	vld [tilespmem:s16+$0x410];
	_ =	sdelay $0x4  }
0x72: {  	v3 =	vshrl.u32 v2, $0x2  }
0x73: {  	v3 =	vadd.s32 s14, v3;
	_ =	sdelay $0x1  }
0x74: {  	v2 =	vshll.u32 v2, $0x3  }
0x75: {  	v2 =	vand.u32 $0x18, v2  }
0x76: {  	v2 =	vshll.u32 v1, v2  }
0x77: {  	[tilespmem:v3+s8+$0x0] =	vst.idx.add.s32.msk $0xffff, v2  }
0x78: {  	v2 =	vld [tilespmem:s16+$0x420];
	_ =	sdelay $0x4  }
0x79: {  	v3 =	vshrl.u32 v2, $0x2  }
0x7a: {  	v3 =	vadd.s32 s14, v3;
	_ =	sdelay $0x1  }
0x7b: {  	v2 =	vshll.u32 v2, $0x3  }
0x7c: {  	v2 =	vand.u32 $0x18, v2  }
0x7d: {  	v2 =	vshll.u32 v1, v2  }
0x7e: {  	[tilespmem:v3+s8+$0x0] =	vst.idx.add.s32.msk $0xffff, v2  }
0x7f: {  	v2 =	vld [tilespmem:s16+$0x430];
	_ =	sdelay $0x4  }
0x80: {  	v3 =	vshrl.u32 v2, $0x2  }
0x81: {  	v3 =	vadd.s32 s14, v3;
	_ =	sdelay $0x1  }
0x82: {  	v2 =	vshll.u32 v2, $0x3  }
0x83: {  	v2 =	vand.u32 $0x18, v2  }
0x84: {  	v2 =	vshll.u32 v1, v2  }
0x85: {  	[tilespmem:v3+s8+$0x0] =	vst.idx.add.s32.msk $0xffff, v2  }
0x86: {  	v2 =	vld [tilespmem:s16+$0x438];
	_ =	sdelay $0x4  }
0x87: {  	v3 =	vshrl.u32 v2, $0x2  }
0x88: {  	v3 =	vadd.s32 s14, v3;
	_ =	sdelay $0x1  }
0x89: {  	v2 =	vshll.u32 v2, $0x3  }
0x8a: {  	v2 =	vand.u32 $0x18, v2  }
0x8b: {  	s30 =	sand.u32 $0x380, s13;
	v2 =	vshll.u32 v1, v2  }
0x8c: {  	s16 =	sor.u32 s30, s15;
	[tilespmem:v3+s8+$0x0] =	vst.idx.add.s32.msk vm0, v2  }
0x8d: {  	v2 =	vld [tilespmem:s16+$0x0];
	_ =	sdelay $0x4  }
0x8e: {  	s31 =	sadd.s32 $0x100, s14;
	v3 =	vshrl.u32 v2, $0x2  }
0x8f: {  	v3 =	vadd.s32 s31, v3;
	_ =	sdelay $0x1  }
0x90: {  	v2 =	vshll.u32 v2, $0x3  }
0x91: {  	v2 =	vand.u32 $0x18, v2  }
0x92: {  	v2 =	vshll.u32 v1, v2  }
0x93: {  	[tilespmem:v3+s8+$0x0] =	vst.idx.add.s32.msk $0xffff, v2  }
0x94: {  	v2 =	vld [tilespmem:s16+$0x10];
	_ =	sdelay $0x4  }
0x95: {  	v3 =	vshrl.u32 v2, $0x2  }
0x96: {  	v3 =	vadd.s32 s31, v3;
	_ =	sdelay $0x1  }
0x97: {  	v2 =	vshll.u32 v2, $0x3  }
0x98: {  	v2 =	vand.u32 $0x18, v2  }
0x99: {  	v2 =	vshll.u32 v1, v2  }
0x9a: {  	[tilespmem:v3+s8+$0x0] =	vst.idx.add.s32.msk $0xffff, v2  }
0x9b: {  	v2 =	vld [tilespmem:s16+$0x20];
	_ =	sdelay $0x4  }
0x9c: {  	v3 =	vshrl.u32 v2, $0x2  }
0x9d: {  	v3 =	vadd.s32 s31, v3;
	_ =	sdelay $0x1  }
0x9e: {  	v2 =	vshll.u32 v2, $0x3  }
0x9f: {  	v2 =	vand.u32 $0x18, v2  }
0xa0: {  	v2 =	vshll.u32 v1, v2  }
0xa1: {  	[tilespmem:v3+s8+$0x0] =	vst.idx.add.s32.msk $0xffff, v2  }
0xa2: {  	v2 =	vld [tilespmem:s16+$0x30];
	_ =	sdelay $0x4  }
0xa3: {  	v3 =	vshrl.u32 v2, $0x2  }
0xa4: {  	v3 =	vadd.s32 s31, v3;
	_ =	sdelay $0x1  }
0xa5: {  	v2 =	vshll.u32 v2, $0x3  }
0xa6: {  	v2 =	vand.u32 $0x18, v2  }
0xa7: {  	v2 =	vshll.u32 v1, v2  }
0xa8: {  	[tilespmem:v3+s8+$0x0] =	vst.idx.add.s32.msk $0xffff, v2  }
0xa9: {  	v2 =	vld [tilespmem:s16+$0x40];
	_ =	sdelay $0x4  }
0xaa: {  	v3 =	vshrl.u32 v2, $0x2  }
0xab: {  	v3 =	vadd.s32 s31, v3;
	_ =	sdelay $0x1  }
0xac: {  	v2 =	vshll.u32 v2, $0x3  }
0xad: {  	v2 =	vand.u32 $0x18, v2  }
0xae: {  	v2 =	vshll.u32 v1, v2  }
0xaf: {  	[tilespmem:v3+s8+$0x0] =	vst.idx.add.s32.msk $0xffff, v2  }
0xb0: {  	v2 =	vld [tilespmem:s16+$0x50];
	_ =	sdelay $0x4  }
0xb1: {  	v3 =	vshrl.u32 v2, $0x2  }
0xb2: {  	v3 =	vadd.s32 s31, v3;
	_ =	sdelay $0x1  }
0xb3: {  	v2 =	vshll.u32 v2, $0x3  }
0xb4: {  	v2 =	vand.u32 $0x18, v2  }
0xb5: {  	v2 =	vshll.u32 v1, v2  }
0xb6: {  	[tilespmem:v3+s8+$0x0] =	vst.idx.add.s32.msk $0xffff, v2  }
0xb7: {  	v2 =	vld [tilespmem:s16+$0x60];
	_ =	sdelay $0x4  }
0xb8: {  	v3 =	vshrl.u32 v2, $0x2  }
0xb9: {  	v3 =	vadd.s32 s31, v3;
	_ =	sdelay $0x1  }
0xba: {  	v2 =	vshll.u32 v2, $0x3  }
0xbb: {  	v2 =	vand.u32 $0x18, v2  }
0xbc: {  	v2 =	vshll.u32 v1, v2  }
0xbd: {  	[tilespmem:v3+s8+$0x0] =	vst.idx.add.s32.msk $0xffff, v2  }
0xbe: {  	v2 =	vld [tilespmem:s16+$0x70];
	_ =	sdelay $0x4  }
0xbf: {  	v3 =	vshrl.u32 v2, $0x2  }
0xc0: {  	v3 =	vadd.s32 s31, v3;
	_ =	sdelay $0x1  }
0xc1: {  	v2 =	vshll.u32 v2, $0x3  }
0xc2: {  	v2 =	vand.u32 $0x18, v2  }
0xc3: {  	v2 =	vshll.u32 v1, v2  }
0xc4: {  	[tilespmem:v3+s8+$0x0] =	vst.idx.add.s32.msk $0xffff, v2  }
0xc5: {  	v2 =	vld [tilespmem:s16+$0x400];
	_ =	sdelay $0x4  }
0xc6: {  	v3 =	vshrl.u32 v2, $0x2  }
0xc7: {  	v3 =	vadd.s32 s31, v3;
	_ =	sdelay $0x1  }
0xc8: {  	v2 =	vshll.u32 v2, $0x3  }
0xc9: {  	v2 =	vand.u32 $0x18, v2  }
0xca: {  	v2 =	vshll.u32 v1, v2  }
0xcb: {  	[tilespmem:v3+s8+$0x0] =	vst.idx.add.s32.msk $0xffff, v2  }
0xcc: {  	v2 =	vld [tilespmem:s16+$0x410];
	_ =	sdelay $0x4  }
0xcd: {  	v3 =	vshrl.u32 v2, $0x2  }
0xce: {  	v3 =	vadd.s32 s31, v3;
	_ =	sdelay $0x1  }
0xcf: {  	v2 =	vshll.u32 v2, $0x3  }
0xd0: {  	v2 =	vand.u32 $0x18, v2  }
0xd1: {  	v2 =	vshll.u32 v1, v2  }
0xd2: {  	[tilespmem:v3+s8+$0x0] =	vst.idx.add.s32.msk $0xffff, v2  }
0xd3: {  	v2 =	vld [tilespmem:s16+$0x420];
	_ =	sdelay $0x4  }
0xd4: {  	v3 =	vshrl.u32 v2, $0x2  }
0xd5: {  	v3 =	vadd.s32 s31, v3;
	_ =	sdelay $0x1  }
0xd6: {  	v2 =	vshll.u32 v2, $0x3  }
0xd7: {  	v2 =	vand.u32 $0x18, v2  }
0xd8: {  	v2 =	vshll.u32 v1, v2  }
0xd9: {  	[tilespmem:v3+s8+$0x0] =	vst.idx.add.s32.msk $0xffff, v2  }
0xda: {  	v2 =	vld [tilespmem:s16+$0x430];
	_ =	sdelay $0x4  }
0xdb: {  	v3 =	vshrl.u32 v2, $0x2  }
0xdc: {  	v3 =	vadd.s32 s31, v3;
	_ =	sdelay $0x1  }
0xdd: {  	v2 =	vshll.u32 v2, $0x3  }
0xde: {  	v2 =	vand.u32 $0x18, v2  }
0xdf: {  	v2 =	vshll.u32 v1, v2  }
0xe0: {  	[tilespmem:v3+s8+$0x0] =	vst.idx.add.s32.msk $0xffff, v2  }
0xe1: {  	v2 =	vld [tilespmem:s16+$0x438];
	_ =	sdelay $0x4  }
0xe2: {  	v3 =	vshrl.u32 v2, $0x2  }
0xe3: {  	p0 =	sne.s32 s13, $0x1F80;
	v3 =	vadd.s32 s31, v3  }
.Ltmp1:
0xe4: {  	_ = 	snop;
	(pc) =	sbr.rel @p0 .LBB2_4-.Ltmp1, $4  }
0xe5: {  	v2 =	vshll.u32 v2, $0x3  }
0xe6: {  	v2 =	vand.u32 $0x18, v2  }
0xe7: {  	v2 =	vshll.u32 v1, v2  }
0xe8: {  	s13 =	sadd.s32 $0x100, s13;
	s14 =	sadd.s32 $0x200, s14;
	[tilespmem:v3+s8+$0x0] =	vst.idx.add.s32.msk vm0, v2  }
0xe9: {  	s13 =	simm.s32 $0x0;
	s14 =	simm.s32 $0x0;
	s15 =	simm.s32 $0x400  }
0xea: {  	[hbm4b:s4+s13] =	stream.linear.scatter [tilespmem:s8], [sflag:$0x1], $0x4000, $0x38;
	[tilespmem:$0x10000] =	vst v63  }
.LBB2_6:
0xeb: {  	p0 =	sne.s32 s15, $0xFC00;
	[tilespmem:s14+$0xC0F0] =	vst v0  }
0xec: {  	[tilespmem:s14+$0xC000] =	vst v0  }
0xed: {  	[tilespmem:s14+$0xC010] =	vst v0  }
0xee: {  	[tilespmem:s14+$0xC020] =	vst v0  }
0xef: {  	[tilespmem:s14+$0xC030] =	vst v0  }
0xf0: {  	[tilespmem:s14+$0xC040] =	vst v0  }
0xf1: {  	[tilespmem:s14+$0xC050] =	vst v0  }
0xf2: {  	[tilespmem:s14+$0xC060] =	vst v0  }
0xf3: {  	[tilespmem:s14+$0xC070] =	vst v0  }
0xf4: {  	[tilespmem:s14+$0xC080] =	vst v0  }
0xf5: {  	[tilespmem:s14+$0xC090] =	vst v0  }
.Ltmp2:
0xf6: {  	[tilespmem:s14+$0xC0A0] =	vst v0;
	(pc) =	sbr.rel @p0 .LBB2_6-.Ltmp2, $4  }
0xf7: {  	[tilespmem:s14+$0xC0B0] =	vst v0  }
0xf8: {  	[tilespmem:s14+$0xC0C0] =	vst v0  }
0xf9: {  	[tilespmem:s14+$0xC0D0] =	vst v0  }
0xfa: {  	[tilespmem:s14+$0xC0E0] =	vst v0;
	s14 =	sshra.s32 s15, $0x2;
	s15 =	sadd.s32 $0x400, s15  }
0xfb: {  	[tilespmem:s14+$0xC0F0] =	vst v0  }
0xfc: {  	[tilespmem:s14+$0xC000] =	vst v0  }
0xfd: {  	[tilespmem:s14+$0xC010] =	vst v0  }
0xfe: {  	[tilespmem:s14+$0xC020] =	vst v0  }
0xff: {  	[tilespmem:s14+$0xC030] =	vst v0  }
0x100: {  	[tilespmem:s14+$0xC040] =	vst v0  }
0x101: {  	[tilespmem:s14+$0xC050] =	vst v0  }
0x102: {  	[tilespmem:s14+$0xC060] =	vst v0  }
0x103: {  	[tilespmem:s14+$0xC070] =	vst v0  }
0x104: {  	[tilespmem:s14+$0xC080] =	vst v0  }
0x105: {  	[tilespmem:s14+$0xC090] =	vst v0  }
0x106: {  	[tilespmem:s14+$0xC0A0] =	vst v0  }
0x107: {  	[tilespmem:s14+$0xC0B0] =	vst v0  }
0x108: {  	[tilespmem:s14+$0xC0C0] =	vst v0  }
0x109: {  	[tilespmem:s14+$0xC0D0] =	vst v0  }
0x10a: {  	[tilespmem:s14+$0xC0E0] =	vst v0;
	s14 =	simm.s32 $0x0  }
.LBB2_8:
0x10b: {  	s15 =	sand.u32 $0x3800, s14;
	s16 =	sand.u32 $0x300, s13  }
0x10c: {  	s15 =	sor.u32 s16, s15  }
0x10d: {  	v2 =	vld [tilespmem:s15+$0x4000];
	_ =	sdelay $0x4  }
0x10e: {  	v3 =	vshrl.u32 v2, $0x2  }
0x10f: {  	v3 =	vadd.s32 s14, v3;
	_ =	sdelay $0x1  }
0x110: {  	v2 =	vshll.u32 v2, $0x3  }
0x111: {  	v2 =	vand.u32 $0x18, v2  }
0x112: {  	v2 =	vshll.u32 v1, v2  }
0x113: {  	[tilespmem:v3+s9+$0x0] =	vst.idx.add.s32.msk $0xffff, v2  }
0x114: {  	v2 =	vld [tilespmem:s15+$0x4010];
	_ =	sdelay $0x4  }
0x115: {  	v3 =	vshrl.u32 v2, $0x2  }
0x116: {  	v3 =	vadd.s32 s14, v3;
	_ =	sdelay $0x1  }
0x117: {  	v2 =	vshll.u32 v2, $0x3  }
0x118: {  	v2 =	vand.u32 $0x18, v2  }
0x119: {  	v2 =	vshll.u32 v1, v2  }
0x11a: {  	[tilespmem:v3+s9+$0x0] =	vst.idx.add.s32.msk $0xffff, v2  }
0x11b: {  	v2 =	vld [tilespmem:s15+$0x4020];
	_ =	sdelay $0x4  }
0x11c: {  	v3 =	vshrl.u32 v2, $0x2  }
0x11d: {  	v3 =	vadd.s32 s14, v3;
	_ =	sdelay $0x1  }
0x11e: {  	v2 =	vshll.u32 v2, $0x3  }
0x11f: {  	v2 =	vand.u32 $0x18, v2  }
0x120: {  	v2 =	vshll.u32 v1, v2  }
0x121: {  	[tilespmem:v3+s9+$0x0] =	vst.idx.add.s32.msk $0xffff, v2  }
0x122: {  	v2 =	vld [tilespmem:s15+$0x4030];
	_ =	sdelay $0x4  }
0x123: {  	v3 =	vshrl.u32 v2, $0x2  }
0x124: {  	v3 =	vadd.s32 s14, v3;
	_ =	sdelay $0x1  }
0x125: {  	v2 =	vshll.u32 v2, $0x3  }
0x126: {  	v2 =	vand.u32 $0x18, v2  }
0x127: {  	v2 =	vshll.u32 v1, v2  }
0x128: {  	[tilespmem:v3+s9+$0x0] =	vst.idx.add.s32.msk $0xffff, v2  }
0x129: {  	v2 =	vld [tilespmem:s15+$0x4040];
	_ =	sdelay $0x4  }
0x12a: {  	v3 =	vshrl.u32 v2, $0x2  }
0x12b: {  	v3 =	vadd.s32 s14, v3;
	_ =	sdelay $0x1  }
0x12c: {  	v2 =	vshll.u32 v2, $0x3  }
0x12d: {  	v2 =	vand.u32 $0x18, v2  }
0x12e: {  	v2 =	vshll.u32 v1, v2  }
0x12f: {  	[tilespmem:v3+s9+$0x0] =	vst.idx.add.s32.msk $0xffff, v2  }
0x130: {  	v2 =	vld [tilespmem:s15+$0x4050];
	_ =	sdelay $0x4  }
0x131: {  	v3 =	vshrl.u32 v2, $0x2  }
0x132: {  	v3 =	vadd.s32 s14, v3;
	_ =	sdelay $0x1  }
0x133: {  	v2 =	vshll.u32 v2, $0x3  }
0x134: {  	v2 =	vand.u32 $0x18, v2  }
0x135: {  	v2 =	vshll.u32 v1, v2  }
0x136: {  	[tilespmem:v3+s9+$0x0] =	vst.idx.add.s32.msk $0xffff, v2  }
0x137: {  	v2 =	vld [tilespmem:s15+$0x4060];
	_ =	sdelay $0x4  }
0x138: {  	v3 =	vshrl.u32 v2, $0x2  }
0x139: {  	v3 =	vadd.s32 s14, v3;
	_ =	sdelay $0x1  }
0x13a: {  	v2 =	vshll.u32 v2, $0x3  }
0x13b: {  	v2 =	vand.u32 $0x18, v2  }
0x13c: {  	v2 =	vshll.u32 v1, v2  }
0x13d: {  	[tilespmem:v3+s9+$0x0] =	vst.idx.add.s32.msk $0xffff, v2  }
0x13e: {  	v2 =	vld [tilespmem:s15+$0x4070];
	_ =	sdelay $0x4  }
0x13f: {  	v3 =	vshrl.u32 v2, $0x2  }
0x140: {  	v3 =	vadd.s32 s14, v3;
	_ =	sdelay $0x1  }
0x141: {  	v2 =	vshll.u32 v2, $0x3  }
0x142: {  	v2 =	vand.u32 $0x18, v2  }
0x143: {  	v2 =	vshll.u32 v1, v2  }
0x144: {  	[tilespmem:v3+s9+$0x0] =	vst.idx.add.s32.msk $0xffff, v2  }
0x145: {  	v2 =	vld [tilespmem:s15+$0x4400];
	_ =	sdelay $0x4  }
0x146: {  	v3 =	vshrl.u32 v2, $0x2  }
0x147: {  	v3 =	vadd.s32 s14, v3;
	_ =	sdelay $0x1  }
0x148: {  	v2 =	vshll.u32 v2, $0x3  }
0x149: {  	v2 =	vand.u32 $0x18, v2  }
0x14a: {  	v2 =	vshll.u32 v1, v2  }
0x14b: {  	[tilespmem:v3+s9+$0x0] =	vst.idx.add.s32.msk $0xffff, v2  }
0x14c: {  	v2 =	vld [tilespmem:s15+$0x4410];
	_ =	sdelay $0x4  }
0x14d: {  	v3 =	vshrl.u32 v2, $0x2  }
0x14e: {  	v3 =	vadd.s32 s14, v3;
	_ =	sdelay $0x1  }
0x14f: {  	v2 =	vshll.u32 v2, $0x3  }
0x150: {  	v2 =	vand.u32 $0x18, v2  }
0x151: {  	v2 =	vshll.u32 v1, v2  }
0x152: {  	[tilespmem:v3+s9+$0x0] =	vst.idx.add.s32.msk $0xffff, v2  }
0x153: {  	v2 =	vld [tilespmem:s15+$0x4420];
	_ =	sdelay $0x4  }
0x154: {  	v3 =	vshrl.u32 v2, $0x2  }
0x155: {  	v3 =	vadd.s32 s14, v3;
	_ =	sdelay $0x1  }
0x156: {  	v2 =	vshll.u32 v2, $0x3  }
0x157: {  	v2 =	vand.u32 $0x18, v2  }
0x158: {  	v2 =	vshll.u32 v1, v2  }
0x159: {  	[tilespmem:v3+s9+$0x0] =	vst.idx.add.s32.msk $0xffff, v2  }
0x15a: {  	v2 =	vld [tilespmem:s15+$0x4430];
	_ =	sdelay $0x4  }
0x15b: {  	v3 =	vshrl.u32 v2, $0x2  }
0x15c: {  	v3 =	vadd.s32 s14, v3;
	_ =	sdelay $0x1  }
0x15d: {  	v2 =	vshll.u32 v2, $0x3  }
0x15e: {  	v2 =	vand.u32 $0x18, v2  }
0x15f: {  	v2 =	vshll.u32 v1, v2  }
0x160: {  	[tilespmem:v3+s9+$0x0] =	vst.idx.add.s32.msk $0xffff, v2  }
0x161: {  	v2 =	vld [tilespmem:s15+$0x4438];
	_ =	sdelay $0x4  }
0x162: {  	v3 =	vshrl.u32 v2, $0x2  }
0x163: {  	v3 =	vadd.s32 s14, v3;
	_ =	sdelay $0x1  }
0x164: {  	v2 =	vshll.u32 v2, $0x3  }
0x165: {  	s29 =	sadd.s32 $0x4100, s14;
	s30 =	sadd.s32 $0x2080, s13;
	v2 =	vand.u32 $0x18, v2  }
0x166: {  	s16 =	sand.u32 $0x380, s30;
	s15 =	sand.u32 $0x7800, s29;
	v2 =	vshll.u32 v1, v2  }
0x167: {  	s16 =	sor.u32 s16, s15;
	[tilespmem:v3+s9+$0x0] =	vst.idx.add.s32.msk vm0, v2  }
0x168: {  	v2 =	vld [tilespmem:s16+$0x0];
	_ =	sdelay $0x4  }
0x169: {  	s31 =	sadd.s32 $0x100, s14;
	v3 =	vshrl.u32 v2, $0x2  }
0x16a: {  	v3 =	vadd.s32 s31, v3;
	_ =	sdelay $0x1  }
0x16b: {  	v2 =	vshll.u32 v2, $0x3  }
0x16c: {  	v2 =	vand.u32 $0x18, v2  }
0x16d: {  	v2 =	vshll.u32 v1, v2  }
0x16e: {  	[tilespmem:v3+s9+$0x0] =	vst.idx.add.s32.msk $0xffff, v2  }
0x16f: {  	v2 =	vld [tilespmem:s16+$0x10];
	_ =	sdelay $0x4  }
0x170: {  	v3 =	vshrl.u32 v2, $0x2  }
0x171: {  	v3 =	vadd.s32 s31, v3;
	_ =	sdelay $0x1  }
0x172: {  	v2 =	vshll.u32 v2, $0x3  }
0x173: {  	v2 =	vand.u32 $0x18, v2  }
0x174: {  	v2 =	vshll.u32 v1, v2  }
0x175: {  	[tilespmem:v3+s9+$0x0] =	vst.idx.add.s32.msk $0xffff, v2  }
0x176: {  	v2 =	vld [tilespmem:s16+$0x20];
	_ =	sdelay $0x4  }
0x177: {  	v3 =	vshrl.u32 v2, $0x2  }
0x178: {  	v3 =	vadd.s32 s31, v3;
	_ =	sdelay $0x1  }
0x179: {  	v2 =	vshll.u32 v2, $0x3  }
0x17a: {  	v2 =	vand.u32 $0x18, v2  }
0x17b: {  	v2 =	vshll.u32 v1, v2  }
0x17c: {  	[tilespmem:v3+s9+$0x0] =	vst.idx.add.s32.msk $0xffff, v2  }
0x17d: {  	v2 =	vld [tilespmem:s16+$0x30];
	_ =	sdelay $0x4  }
0x17e: {  	v3 =	vshrl.u32 v2, $0x2  }
0x17f: {  	v3 =	vadd.s32 s31, v3;
	_ =	sdelay $0x1  }
0x180: {  	v2 =	vshll.u32 v2, $0x3  }
0x181: {  	v2 =	vand.u32 $0x18, v2  }
0x182: {  	v2 =	vshll.u32 v1, v2  }
0x183: {  	[tilespmem:v3+s9+$0x0] =	vst.idx.add.s32.msk $0xffff, v2  }
0x184: {  	v2 =	vld [tilespmem:s16+$0x40];
	_ =	sdelay $0x4  }
0x185: {  	v3 =	vshrl.u32 v2, $0x2  }
0x186: {  	v3 =	vadd.s32 s31, v3;
	_ =	sdelay $0x1  }
0x187: {  	v2 =	vshll.u32 v2, $0x3  }
0x188: {  	v2 =	vand.u32 $0x18, v2  }
0x189: {  	v2 =	vshll.u32 v1, v2  }
0x18a: {  	[tilespmem:v3+s9+$0x0] =	vst.idx.add.s32.msk $0xffff, v2  }
0x18b: {  	v2 =	vld [tilespmem:s16+$0x50];
	_ =	sdelay $0x4  }
0x18c: {  	v3 =	vshrl.u32 v2, $0x2  }
0x18d: {  	v3 =	vadd.s32 s31, v3;
	_ =	sdelay $0x1  }
0x18e: {  	v2 =	vshll.u32 v2, $0x3  }
0x18f: {  	v2 =	vand.u32 $0x18, v2  }
0x190: {  	v2 =	vshll.u32 v1, v2  }
0x191: {  	[tilespmem:v3+s9+$0x0] =	vst.idx.add.s32.msk $0xffff, v2  }
0x192: {  	v2 =	vld [tilespmem:s16+$0x60];
	_ =	sdelay $0x4  }
0x193: {  	v3 =	vshrl.u32 v2, $0x2  }
0x194: {  	v3 =	vadd.s32 s31, v3;
	_ =	sdelay $0x1  }
0x195: {  	v2 =	vshll.u32 v2, $0x3  }
0x196: {  	v2 =	vand.u32 $0x18, v2  }
0x197: {  	v2 =	vshll.u32 v1, v2  }
0x198: {  	[tilespmem:v3+s9+$0x0] =	vst.idx.add.s32.msk $0xffff, v2  }
0x199: {  	v2 =	vld [tilespmem:s16+$0x70];
	_ =	sdelay $0x4  }
0x19a: {  	v3 =	vshrl.u32 v2, $0x2  }
0x19b: {  	v3 =	vadd.s32 s31, v3;
	_ =	sdelay $0x1  }
0x19c: {  	v2 =	vshll.u32 v2, $0x3  }
0x19d: {  	v2 =	vand.u32 $0x18, v2  }
0x19e: {  	v2 =	vshll.u32 v1, v2  }
0x19f: {  	[tilespmem:v3+s9+$0x0] =	vst.idx.add.s32.msk $0xffff, v2  }
0x1a0: {  	v2 =	vld [tilespmem:s16+$0x400];
	_ =	sdelay $0x4  }
0x1a1: {  	v3 =	vshrl.u32 v2, $0x2  }
0x1a2: {  	v3 =	vadd.s32 s31, v3;
	_ =	sdelay $0x1  }
0x1a3: {  	v2 =	vshll.u32 v2, $0x3  }
0x1a4: {  	v2 =	vand.u32 $0x18, v2  }
0x1a5: {  	v2 =	vshll.u32 v1, v2  }
0x1a6: {  	[tilespmem:v3+s9+$0x0] =	vst.idx.add.s32.msk $0xffff, v2  }
0x1a7: {  	v2 =	vld [tilespmem:s16+$0x410];
	_ =	sdelay $0x4  }
0x1a8: {  	v3 =	vshrl.u32 v2, $0x2  }
0x1a9: {  	v3 =	vadd.s32 s31, v3;
	_ =	sdelay $0x1  }
0x1aa: {  	v2 =	vshll.u32 v2, $0x3  }
0x1ab: {  	v2 =	vand.u32 $0x18, v2  }
0x1ac: {  	v2 =	vshll.u32 v1, v2  }
0x1ad: {  	[tilespmem:v3+s9+$0x0] =	vst.idx.add.s32.msk $0xffff, v2  }
0x1ae: {  	v2 =	vld [tilespmem:s16+$0x420];
	_ =	sdelay $0x4  }
0x1af: {  	v3 =	vshrl.u32 v2, $0x2  }
0x1b0: {  	v3 =	vadd.s32 s31, v3;
	_ =	sdelay $0x1  }
0x1b1: {  	v2 =	vshll.u32 v2, $0x3  }
0x1b2: {  	v2 =	vand.u32 $0x18, v2  }
0x1b3: {  	v2 =	vshll.u32 v1, v2  }
0x1b4: {  	[tilespmem:v3+s9+$0x0] =	vst.idx.add.s32.msk $0xffff, v2  }
0x1b5: {  	v2 =	vld [tilespmem:s16+$0x430];
	_ =	sdelay $0x4  }
0x1b6: {  	v3 =	vshrl.u32 v2, $0x2  }
0x1b7: {  	v3 =	vadd.s32 s31, v3;
	_ =	sdelay $0x1  }
0x1b8: {  	v2 =	vshll.u32 v2, $0x3  }
0x1b9: {  	v2 =	vand.u32 $0x18, v2  }
0x1ba: {  	v2 =	vshll.u32 v1, v2  }
0x1bb: {  	[tilespmem:v3+s9+$0x0] =	vst.idx.add.s32.msk $0xffff, v2  }
0x1bc: {  	v2 =	vld [tilespmem:s16+$0x438];
	_ =	sdelay $0x4  }
0x1bd: {  	v3 =	vshrl.u32 v2, $0x2  }
0x1be: {  	p0 =	sne.s32 s14, $0x3E00;
	v3 =	vadd.s32 s31, v3  }
.Ltmp3:
0x1bf: {  	_ = 	snop;
	(pc) =	sbr.rel @p0 .LBB2_8-.Ltmp3, $4  }
0x1c0: {  	v2 =	vshll.u32 v2, $0x3  }
0x1c1: {  	v2 =	vand.u32 $0x18, v2  }
0x1c2: {  	v2 =	vshll.u32 v1, v2  }
0x1c3: {  	s13 =	sadd.s32 $0x100, s13;
	s14 =	sadd.s32 $0x200, s14;
	[tilespmem:v3+s9+$0x0] =	vst.idx.add.s32.msk vm0, v2  }
0x1c4: {  	[hbm4b:s5+s2] =	stream.linear.scatter [tilespmem:s9], [sflag:$0x2], $0x4000, $0x38;
	[tilespmem:$0x10000] =	vst v63  }
0x1c5: {  	s12 =	sadd.s32 $0x1, s12  }
0x1c6: {  	_ =	swait.ge [sflag:s10], $0x4000;
	p0 =	sne.s32 s12, s6  }
.Ltmp4:
0x1c7: {  	[sflag:s10] =	ssyncset.done $0x0;
	(pc) =	sbr.rel @p0 .LBB2_1-.Ltmp4, $4  }
0x1c8: {  	[sflag:s10] =	ssyncadd.s32 $0xFFFFC000  }
0x1c9: {  	_ =	swait.ge [sflag:s11], $0x4000  }
0x1ca: {  	[sflag:s11] =	ssyncset.done $0x0  }
0x1cb: {  	[sflag:s11] =	ssyncadd.s32 $0xFFFFC000  }
0x1cc: {  	_ =	sfence.sel $0x180000  }
0x1cd: {  	[bflag:$0x0] =	sbarrier.arrive $0xFFFF  }
0x1ce: {  	p0 =	sne.s32 s1, $0x0;
	_ =	strace $0x90000047  }
0x1cf: {  	s0 =	sadd.s32 @!p0 $0x100000, s0;
	[bflag:$0x2] =	sbarrier.arrive $0xFFFF  }
0x1d0: {  	[sflag:s0] =	ssyncadd.tile.s32 @!p0 $0x1;
	_ =	shalt  }
.Lfunc_end2:
_tile_overlayer_lowered:
.L_overlay_start_2:
0x1d1: {  	(tag) =	ssettag $0x2  }
0x1d2: {  	s0 =	rddreg [dreg:$0x0];
	s2 =	stileid.u32  }
0x1d3: {  	s1 =	rddreg [dreg:$0x1];
	p0 =	sne.s32 s2, $0x0  }
0x1d4: {  	s3 =	rddreg [dreg:$0x2];
	[bflag:$0x3] =	sbarrier.arrive $0xFFFF;
	s2 =	simm.s32 @!p0 $0x1C04  }
0x1d5: {  	[timem:s3], [sflag:s2] =	dma.local @!p0 [hbm:s0], s1  }
0x1d6: {  	s0 =	simm.s32 @!p0 $0x4  }
0x1d7: {  	_ =	swait.ge @!p0 [sflag:s0], s1  }
0x1d8: {  	s1 =	ssub.s32 @!p0 $0x0, s1;
	[sflag:s0] =	ssyncset.done @!p0 $0x0  }
0x1d9: {  	[sflag:s0] =	ssyncadd.s32 @!p0 s1  }
0x1da: {  	[bflag:$0x3] =	sbarrier.arrive $0xFFFF  }
0x1db: {  	_ =	shalt  }

</sc_bundles>
